<compile_context>
chip_gen: v7x
topology: tpu7x:2x2x1
jax: 0.10.2.dev20260603
libtpu: 0.0.44.dev20260713+nightly
codegen_flags: <defaults>
</compile_context>

<pallas_src>
import functools

import jax
import jax.numpy as jnp
from jax import lax
from jax.experimental import pallas as pl
from jax.experimental.pallas import tpu as pltpu
from jax.experimental.pallas import tpu_sc as plsc

_B, _S, _D = 4, 4096, 2048
_T = 3
_NW = 32
_WPB = _NW // _B
_CH = 16
_NCHB = 255
_NI = 32


def _sc_concat(x_hbm, emb_hbm, out_hbm, buf0, buf1, ebuf, sem_r, sem_w):
    c = lax.axis_index("c")
    s = lax.axis_index("s")
    wid = s * 2 + c
    b = wid // _WPB
    wk = wid % _WPB
    bufs = (buf0, buf1)
    lanes = lax.iota(jnp.int32, _CH)

    @pl.when(wk == 0)
    def _():
        pltpu.sync_copy(emb_hbm, ebuf.at[pl.ds(0, _T)])
        pltpu.sync_copy(ebuf.at[pl.ds(0, _T)], out_hbm.at[b, pl.ds(0, _T)])
        pltpu.sync_copy(x_hbm.at[b, pl.ds(0, _CH)], ebuf)
        pltpu.async_copy(ebuf, out_hbm.at[b].at[_T + lanes], sem_w)
        pltpu.make_async_copy(x_hbm.at[b, pl.ds(0, _CH)], ebuf, sem_w).wait()

    @pl.when(wk == 1)
    def _():
        pltpu.sync_copy(x_hbm.at[b, pl.ds(_S - _CH, _CH)], ebuf)
        pltpu.async_copy(ebuf, out_hbm.at[b].at[(_S - _CH + _T) + lanes],
                         sem_w)
        pltpu.make_async_copy(x_hbm.at[b, pl.ds(0, _CH)], ebuf, sem_w).wait()

    def valid(i):
        return (i * _WPB + wk) < _NCHB

    def gather(i, buf):
        cc = i * _WPB + wk
        pltpu.async_copy(x_hbm.at[b].at[(5 + _CH * cc) + lanes], buf, sem_r)

    def write(i, buf):
        cc = i * _WPB + wk
        pltpu.async_copy(buf, out_hbm.at[b, pl.ds(8 + _CH * cc, _CH)], sem_w)

    def wait_one(sem):
        pltpu.make_async_copy(x_hbm.at[b, pl.ds(0, _CH)], buf0, sem).wait()

    gather(0, bufs[0])

    def body(i2, carry):
        for j in range(2):
            i = i2 * 2 + j
            cur = bufs[j]
            nxt = bufs[1 - j]

            @pl.when(valid(i))
            def _():
                wait_one(sem_r)
                write(i, cur)

            @pl.when((i >= 1) & valid(i))
            def _():
                wait_one(sem_w)

            @pl.when(valid(i + 1))
            def _():
                gather(i + 1, nxt)
        return carry

    lax.fori_loop(0, _NI // 2, body, 0)
    wait_one(sem_w)


def kernel(x, embedding):
    mesh = plsc.VectorSubcoreMesh(core_axis_name="c", subcore_axis_name="s")
    k = functools.partial(
        pl.kernel,
        mesh=mesh,
        out_type=jax.ShapeDtypeStruct((_B, _S + _T, _D), x.dtype),
        scratch_types=[
            pltpu.VMEM((_CH, _D), jnp.float32),
            pltpu.VMEM((_CH, _D), jnp.float32),
            pltpu.VMEM((_CH, _D), jnp.float32),
            pltpu.SemaphoreType.DMA,
            pltpu.SemaphoreType.DMA,
        ],
    )(_sc_concat)
    return k(x, embedding)

# --- scband reference (transcript-rebuilt; emitter-appended) ---
"""Pipeline reference for scband-policy-action-tokens-32452772889236 (READ-ONLY COPY).

The authoritative reference and input builder live on the scoring server;
editing this copy changes nothing except your own understanding.
"""

import jax, jax.numpy as jnp
import numpy as np


def setup_inputs(seed: int = 0) -> dict:
    key = jax.random.key(seed)
    k_x, k_emb = jax.random.split(key)
    x = jax.random.normal(k_x, (4, 4096, 2048), dtype=jnp.float32)
    # learned parameter: nn.Embed(num_embeddings=3, features=x.shape[-1]) table
    embedding = jax.random.normal(k_emb, (3, 2048), dtype=jnp.float32) * 0.02
    return {"x": x, "embedding": embedding}


def reference(x, embedding):
    # nn.Embed(...)(jnp.arange(3)) is a gather of all 3 rows of the table
    tok = jnp.take(embedding, jnp.arange(3), axis=0)
    tokens = jnp.broadcast_to(tok, x.shape[:-2] + (3, x.shape[-1]))
    return jnp.concatenate([tokens, x], axis=-2)

if __name__ == "__main__":
    import jax
    _d = setup_inputs()
    print(jax.jit(kernel)(*tuple(_d.values())))

</pallas_src>

<mosaic_0001>
#map = affine_map<(d0, d1) -> (0, 0, 0)>
#map1 = affine_map<(d0, d1) -> (0, 0)>
module attributes {stable_mosaic.version = 14 : i64} {
  func.func @_sc_concat(%arg0: i32, %arg1: i32, %arg2: memref<4x4096x2048xf32, #tpu.memory_space<hbm>>, %arg3: memref<3x2048xf32, #tpu.memory_space<hbm>>, %arg4: memref<4x4099x2048xf32, #tpu.memory_space<hbm>>, %arg5: memref<16x2048xf32, #tpu.memory_space<vmem>>, %arg6: memref<16x2048xf32, #tpu.memory_space<vmem>>, %arg7: memref<16x2048xf32, #tpu.memory_space<vmem>>, %arg8: memref<!tpu.dma_semaphore, #tpu.memory_space<semaphore_mem>>, %arg9: memref<!tpu.dma_semaphore, #tpu.memory_space<semaphore_mem>>) attributes {dimension_semantics = [#tpu.dimension_semantics<core_parallel>, #tpu.dimension_semantics<subcore_parallel>], iteration_bounds = array<i64: 2, 16>, scalar_prefetch = 0 : i64, scratch_operands = 5 : i64, tpu.core_type = #tpu.core_type<sc_vector_subcore>, window_params = [{transform_indices = #map}, {transform_indices = #map1}, {transform_indices = #map}]} {
    %mul3A = arith.constant 2 : i32
    %mul3A_0 = arith.muli %arg1, %mul3A : i32
    %add3A = arith.addi %mul3A_0, %arg0 : i32
    %jit3A = arith.constant 8 : i32
    %div3A = arith.divsi %add3A, %jit3A : i32
    %sign3A = arith.constant 0 : i32
    %sign3A_1 = arith.cmpi sgt, %add3A, %sign3A : i32
    %sign3A_2 = arith.extui %sign3A_1 : i1 to i32
    %sign3A_3 = arith.constant 0 : i32
    %sign3A_4 = arith.cmpi slt, %add3A, %sign3A_3 : i32
    %sign3A_5 = arith.extui %sign3A_4 : i1 to i32
    %sign3A_6 = arith.subi %sign3A_2, %sign3A_5 : i32
    %sign3A_7 = arith.constant 0 : i32
    %sign3A_8 = arith.cmpi sgt, %jit3A, %sign3A_7 : i32
    %sign3A_9 = arith.extui %sign3A_8 : i1 to i32
    %sign3A_10 = arith.constant 0 : i32
    %sign3A_11 = arith.cmpi slt, %jit3A, %sign3A_10 : i32
    %sign3A_12 = arith.extui %sign3A_11 : i1 to i32
    %sign3A_13 = arith.subi %sign3A_9, %sign3A_12 : i32
    %ne3A = arith.cmpi ne, %sign3A_6, %sign3A_13 : i32
    %rem3A = arith.remsi %add3A, %jit3A : i32
    %ne3A_14 = arith.constant 0 : i32
    %ne3A_15 = arith.cmpi ne, %rem3A, %ne3A_14 : i32
    %and3A = arith.andi %ne3A, %ne3A_15 : i1
    %sub3A = arith.constant 1 : i32
    %sub3A_16 = arith.subi %div3A, %sub3A : i32
    %select_n3A = arith.select %and3A, %sub3A_16, %div3A : i32
    %jit3A_17 = arith.constant 8 : i32
    %eq3A = arith.constant 0 : i32
    %eq3A_18 = arith.cmpi eq, %jit3A_17, %eq3A : i32
    %jit3A_19 = arith.constant 1 : i32
    %select_n3A_20 = arith.select %eq3A_18, %jit3A_19, %jit3A_17 : i32
    %rem3A_21 = arith.remsi %add3A, %select_n3A_20 : i32
    %ne3A_22 = arith.constant 0 : i32
    %ne3A_23 = arith.cmpi ne, %rem3A_21, %ne3A_22 : i32
    %lt3A = arith.constant 0 : i32
    %lt3A_24 = arith.cmpi slt, %rem3A_21, %lt3A : i32
    %lt3A_25 = arith.constant 0 : i32
    %lt3A_26 = arith.cmpi slt, %select_n3A_20, %lt3A_25 : i32
    %ne3A_27 = arith.xori %lt3A_24, %lt3A_26 : i1
    %and3A_28 = arith.andi %ne3A_27, %ne3A_23 : i1
    %add3A_29 = arith.addi %rem3A_21, %select_n3A_20 : i32
    %select_n3A_30 = arith.select %and3A_28, %add3A_29, %rem3A_21 : i32
    %iota3A = tpu.iota {dimensions = array<i32: 0>} : vector<16xi32>
    %eq3A_31 = arith.constant 0 : i32
    %eq3A_32 = arith.cmpi eq, %select_n3A_30, %eq3A_31 : i32
    %convert_element_type3A = arith.extui %eq3A_32 : i1 to i32
    %cond3A = arith.constant 0 : i32
    %cond3A_33 = arith.cmpi ne, %convert_element_type3A, %cond3A : i32
    scf.if %cond3A_33 {
      "tpu.region"() ({
        %run_scoped3A = tpu.sem_alloc : memref<!tpu.dma_semaphore, #tpu.memory_space<semaphore_mem>>
        %dma_start3A_83 = arith.constant 0 : i32
        %dma_start3A_84 = arith.constant 0 : i32
        %dma_start3A_85 = tpu.memref_slice %arg7[%dma_start3A_83, %dma_start3A_84] : memref<16x2048xf32, #tpu.memory_space<vmem>> -> memref<3x2048xf32, #tpu.memory_space<vmem>>
        %dma_start3A_86 = arith.constant 0 : i32
        %dma_start3A_87 = arith.constant 0 : i32
        %dma_start3A_88 = tpu.memref_slice %arg7[%dma_start3A_86, %dma_start3A_87] : memref<16x2048xf32, #tpu.memory_space<vmem>> -> memref<3x2048xf32, #tpu.memory_space<vmem>>
        tpu.enqueue_dma source(%arg3 : memref<3x2048xf32, #tpu.memory_space<hbm>>) target(%dma_start3A_88 : memref<3x2048xf32, #tpu.memory_space<vmem>>) target_semaphore(%run_scoped3A : memref<!tpu.dma_semaphore, #tpu.memory_space<semaphore_mem>>)
        %dma_wait3A_89 = arith.constant 0 : i32
        %dma_wait3A_90 = arith.constant 0 : i32
        %dma_wait3A_91 = tpu.memref_slice %arg7[%dma_wait3A_89, %dma_wait3A_90] : memref<16x2048xf32, #tpu.memory_space<vmem>> -> memref<3x2048xf32, #tpu.memory_space<vmem>>
        %dma_wait3A_92 = arith.constant 0 : i32
        %dma_wait3A_93 = arith.constant 0 : i32
        %dma_wait3A_94 = tpu.memref_slice %arg7[%dma_wait3A_92, %dma_wait3A_93] : memref<16x2048xf32, #tpu.memory_space<vmem>> -> memref<3x2048xf32, #tpu.memory_space<vmem>>
        tpu.wait_dma2 semaphore(%run_scoped3A : memref<!tpu.dma_semaphore, #tpu.memory_space<semaphore_mem>>) src(%arg3 : memref<3x2048xf32, #tpu.memory_space<hbm>>) dst(%dma_wait3A_94 : memref<3x2048xf32, #tpu.memory_space<vmem>>)
        tpu.yield
      }) : () -> ()
      "tpu.region"() ({
        %run_scoped3A = tpu.sem_alloc : memref<!tpu.dma_semaphore, #tpu.memory_space<semaphore_mem>>
        %dma_start3A_83 = arith.constant 0 : i32
        %dma_start3A_84 = arith.constant 0 : i32
        %dma_start3A_85 = tpu.memref_slice %arg7[%dma_start3A_83, %dma_start3A_84] : memref<16x2048xf32, #tpu.memory_space<vmem>> -> memref<3x2048xf32, #tpu.memory_space<vmem>>
        %dma_start3A_86 = arith.constant 0 : i32
        %dma_start3A_87 = arith.constant 0 : i32
        %dma_start3A_88 = tpu.memref_slice %arg4[%select_n3A, %dma_start3A_86, %dma_start3A_87] : memref<4x4099x2048xf32, #tpu.memory_space<hbm>> -> memref<1x3x2048xf32, #tpu.memory_space<hbm>>
        %dma_start3A_89 = tpu.memref_squeeze %dma_start3A_88 : memref<1x3x2048xf32, #tpu.memory_space<hbm>> -> memref<3x2048xf32, #tpu.memory_space<hbm>>
        %dma_start3A_90 = arith.constant 0 : i32
        %dma_start3A_91 = arith.constant 0 : i32
        %dma_start3A_92 = tpu.memref_slice %arg4[%select_n3A, %dma_start3A_90, %dma_start3A_91] : memref<4x4099x2048xf32, #tpu.memory_space<hbm>> -> memref<1x3x2048xf32, #tpu.memory_space<hbm>>
        %dma_start3A_93 = tpu.memref_squeeze %dma_start3A_92 : memref<1x3x2048xf32, #tpu.memory_space<hbm>> -> memref<3x2048xf32, #tpu.memory_space<hbm>>
        %dma_start3A_94 = arith.constant 0 : i32
        %dma_start3A_95 = arith.constant 0 : i32
        %dma_start3A_96 = tpu.memref_slice %arg7[%dma_start3A_94, %dma_start3A_95] : memref<16x2048xf32, #tpu.memory_space<vmem>> -> memref<3x2048xf32, #tpu.memory_space<vmem>>
        tpu.enqueue_dma source(%dma_start3A_96 : memref<3x2048xf32, #tpu.memory_space<vmem>>) target(%dma_start3A_93 : memref<3x2048xf32, #tpu.memory_space<hbm>>) target_semaphore(%run_scoped3A : memref<!tpu.dma_semaphore, #tpu.memory_space<semaphore_mem>>)
        %dma_wait3A_97 = arith.constant 0 : i32
        %dma_wait3A_98 = arith.constant 0 : i32
        %dma_wait3A_99 = tpu.memref_slice %arg7[%dma_wait3A_97, %dma_wait3A_98] : memref<16x2048xf32, #tpu.memory_space<vmem>> -> memref<3x2048xf32, #tpu.memory_space<vmem>>
        %dma_wait3A_100 = arith.constant 0 : i32
        %dma_wait3A_101 = arith.constant 0 : i32
        %dma_wait3A_102 = tpu.memref_slice %arg4[%select_n3A, %dma_wait3A_100, %dma_wait3A_101] : memref<4x4099x2048xf32, #tpu.memory_space<hbm>> -> memref<1x3x2048xf32, #tpu.memory_space<hbm>>
        %dma_wait3A_103 = tpu.memref_squeeze %dma_wait3A_102 : memref<1x3x2048xf32, #tpu.memory_space<hbm>> -> memref<3x2048xf32, #tpu.memory_space<hbm>>
        %dma_wait3A_104 = arith.constant 0 : i32
        %dma_wait3A_105 = arith.constant 0 : i32
        %dma_wait3A_106 = tpu.memref_slice %arg4[%select_n3A, %dma_wait3A_104, %dma_wait3A_105] : memref<4x4099x2048xf32, #tpu.memory_space<hbm>> -> memref<1x3x2048xf32, #tpu.memory_space<hbm>>
        %dma_wait3A_107 = tpu.memref_squeeze %dma_wait3A_106 : memref<1x3x2048xf32, #tpu.memory_space<hbm>> -> memref<3x2048xf32, #tpu.memory_space<hbm>>
        %dma_wait3A_108 = arith.constant 0 : i32
        %dma_wait3A_109 = arith.constant 0 : i32
        %dma_wait3A_110 = tpu.memref_slice %arg7[%dma_wait3A_108, %dma_wait3A_109] : memref<16x2048xf32, #tpu.memory_space<vmem>> -> memref<3x2048xf32, #tpu.memory_space<vmem>>
        tpu.wait_dma2 semaphore(%run_scoped3A : memref<!tpu.dma_semaphore, #tpu.memory_space<semaphore_mem>>) src(%dma_wait3A_110 : memref<3x2048xf32, #tpu.memory_space<vmem>>) dst(%dma_wait3A_107 : memref<3x2048xf32, #tpu.memory_space<hbm>>)
        tpu.yield
      }) : () -> ()
      "tpu.region"() ({
        %run_scoped3A = tpu.sem_alloc : memref<!tpu.dma_semaphore, #tpu.memory_space<semaphore_mem>>
        %dma_start3A_83 = arith.constant 0 : i32
        %dma_start3A_84 = arith.constant 0 : i32
        %dma_start3A_85 = tpu.memref_slice %arg2[%select_n3A, %dma_start3A_83, %dma_start3A_84] : memref<4x4096x2048xf32, #tpu.memory_space<hbm>> -> memref<1x16x2048xf32, #tpu.memory_space<hbm>>
        %dma_start3A_86 = tpu.memref_squeeze %dma_start3A_85 : memref<1x16x2048xf32, #tpu.memory_space<hbm>> -> memref<16x2048xf32, #tpu.memory_space<hbm>>
        %dma_start3A_87 = arith.constant 0 : i32
        %dma_start3A_88 = arith.constant 0 : i32
        %dma_start3A_89 = tpu.memref_slice %arg2[%select_n3A, %dma_start3A_87, %dma_start3A_88] : memref<4x4096x2048xf32, #tpu.memory_space<hbm>> -> memref<1x16x2048xf32, #tpu.memory_space<hbm>>
        %dma_start3A_90 = tpu.memref_squeeze %dma_start3A_89 : memref<1x16x2048xf32, #tpu.memory_space<hbm>> -> memref<16x2048xf32, #tpu.memory_space<hbm>>
        tpu.enqueue_dma source(%dma_start3A_90 : memref<16x2048xf32, #tpu.memory_space<hbm>>) target(%arg7 : memref<16x2048xf32, #tpu.memory_space<vmem>>) target_semaphore(%run_scoped3A : memref<!tpu.dma_semaphore, #tpu.memory_space<semaphore_mem>>)
        %dma_wait3A_91 = arith.constant 0 : i32
        %dma_wait3A_92 = arith.constant 0 : i32
        %dma_wait3A_93 = tpu.memref_slice %arg2[%select_n3A, %dma_wait3A_91, %dma_wait3A_92] : memref<4x4096x2048xf32, #tpu.memory_space<hbm>> -> memref<1x16x2048xf32, #tpu.memory_space<hbm>>
        %dma_wait3A_94 = tpu.memref_squeeze %dma_wait3A_93 : memref<1x16x2048xf32, #tpu.memory_space<hbm>> -> memref<16x2048xf32, #tpu.memory_space<hbm>>
        %dma_wait3A_95 = arith.constant 0 : i32
        %dma_wait3A_96 = arith.constant 0 : i32
        %dma_wait3A_97 = tpu.memref_slice %arg2[%select_n3A, %dma_wait3A_95, %dma_wait3A_96] : memref<4x4096x2048xf32, #tpu.memory_space<hbm>> -> memref<1x16x2048xf32, #tpu.memory_space<hbm>>
        %dma_wait3A_98 = tpu.memref_squeeze %dma_wait3A_97 : memref<1x16x2048xf32, #tpu.memory_space<hbm>> -> memref<16x2048xf32, #tpu.memory_space<hbm>>
        tpu.wait_dma2 semaphore(%run_scoped3A : memref<!tpu.dma_semaphore, #tpu.memory_space<semaphore_mem>>) src(%dma_wait3A_98 : memref<16x2048xf32, #tpu.memory_space<hbm>>) dst(%arg7 : memref<16x2048xf32, #tpu.memory_space<vmem>>)
        tpu.yield
      }) : () -> ()
      %add3A_65 = arith.constant 3 : i32
      %add3A_66 = vector.broadcast %add3A_65 : i32 to vector<16xi32>
      %add3A_67 = arith.addi %add3A_66, %iota3A : vector<16xi32>
      %dma_start3A_68 = arith.constant 0 : i32
      %dma_start3A_69 = arith.constant 0 : i32
      %dma_start3A_70 = tpu.memref_slice %arg4[%select_n3A, %dma_start3A_68, %dma_start3A_69] : memref<4x4099x2048xf32, #tpu.memory_space<hbm>> -> memref<1x4099x2048xf32, #tpu.memory_space<hbm>>
      %dma_start3A_71 = tpu.memref_squeeze %dma_start3A_70 : memref<1x4099x2048xf32, #tpu.memory_space<hbm>> -> memref<4099x2048xf32, #tpu.memory_space<hbm>>
      %dma_start3A_72 = arith.constant 0 : i32
      %dma_start3A_73 = arith.constant 0 : i32
      %dma_start3A_74 = tpu.memref_slice %dma_start3A_71[%dma_start3A_72, %dma_start3A_73] : memref<4099x2048xf32, #tpu.memory_space<hbm>> -> memref<4099x2048xf32, #tpu.memory_space<hbm>>
      tpu.enqueue_indirect_dma source(%arg7 : memref<16x2048xf32, #tpu.memory_space<vmem>>) target(%dma_start3A_74 : memref<4099x2048xf32, #tpu.memory_space<hbm>>) offsets(%add3A_67 : vector<16xi32>) semaphore(%arg9 : memref<!tpu.dma_semaphore, #tpu.memory_space<semaphore_mem>>)
      %dma_wait3A_75 = arith.constant 0 : i32
      %dma_wait3A_76 = arith.constant 0 : i32
      %dma_wait3A_77 = tpu.memref_slice %arg2[%select_n3A, %dma_wait3A_75, %dma_wait3A_76] : memref<4x4096x2048xf32, #tpu.memory_space<hbm>> -> memref<1x16x2048xf32, #tpu.memory_space<hbm>>
      %dma_wait3A_78 = tpu.memref_squeeze %dma_wait3A_77 : memref<1x16x2048xf32, #tpu.memory_space<hbm>> -> memref<16x2048xf32, #tpu.memory_space<hbm>>
      %dma_wait3A_79 = arith.constant 0 : i32
      %dma_wait3A_80 = arith.constant 0 : i32
      %dma_wait3A_81 = tpu.memref_slice %arg2[%select_n3A, %dma_wait3A_79, %dma_wait3A_80] : memref<4x4096x2048xf32, #tpu.memory_space<hbm>> -> memref<1x16x2048xf32, #tpu.memory_space<hbm>>
      %dma_wait3A_82 = tpu.memref_squeeze %dma_wait3A_81 : memref<1x16x2048xf32, #tpu.memory_space<hbm>> -> memref<16x2048xf32, #tpu.memory_space<hbm>>
      tpu.wait_dma2 semaphore(%arg9 : memref<!tpu.dma_semaphore, #tpu.memory_space<semaphore_mem>>) src(%dma_wait3A_82 : memref<16x2048xf32, #tpu.memory_space<hbm>>) dst(%arg7 : memref<16x2048xf32, #tpu.memory_space<vmem>>)
    } else {
    }
    %eq3A_34 = arith.constant 1 : i32
    %eq3A_35 = arith.cmpi eq, %select_n3A_30, %eq3A_34 : i32
    %convert_element_type3A_36 = arith.extui %eq3A_35 : i1 to i32
    %cond3A_37 = arith.constant 0 : i32
    %cond3A_38 = arith.cmpi ne, %convert_element_type3A_36, %cond3A_37 : i32
    scf.if %cond3A_38 {
      "tpu.region"() ({
        %run_scoped3A = tpu.sem_alloc : memref<!tpu.dma_semaphore, #tpu.memory_space<semaphore_mem>>
        %dma_start3A_83 = arith.constant 4080 : i32
        %dma_start3A_84 = arith.constant 0 : i32
        %dma_start3A_85 = tpu.memref_slice %arg2[%select_n3A, %dma_start3A_83, %dma_start3A_84] : memref<4x4096x2048xf32, #tpu.memory_space<hbm>> -> memref<1x16x2048xf32, #tpu.memory_space<hbm>>
        %dma_start3A_86 = tpu.memref_squeeze %dma_start3A_85 : memref<1x16x2048xf32, #tpu.memory_space<hbm>> -> memref<16x2048xf32, #tpu.memory_space<hbm>>
        %dma_start3A_87 = arith.constant 4080 : i32
        %dma_start3A_88 = arith.constant 0 : i32
        %dma_start3A_89 = tpu.memref_slice %arg2[%select_n3A, %dma_start3A_87, %dma_start3A_88] : memref<4x4096x2048xf32, #tpu.memory_space<hbm>> -> memref<1x16x2048xf32, #tpu.memory_space<hbm>>
        %dma_start3A_90 = tpu.memref_squeeze %dma_start3A_89 : memref<1x16x2048xf32, #tpu.memory_space<hbm>> -> memref<16x2048xf32, #tpu.memory_space<hbm>>
        tpu.enqueue_dma source(%dma_start3A_90 : memref<16x2048xf32, #tpu.memory_space<hbm>>) target(%arg7 : memref<16x2048xf32, #tpu.memory_space<vmem>>) target_semaphore(%run_scoped3A : memref<!tpu.dma_semaphore, #tpu.memory_space<semaphore_mem>>)
        %dma_wait3A_91 = arith.constant 4080 : i32
        %dma_wait3A_92 = arith.constant 0 : i32
        %dma_wait3A_93 = tpu.memref_slice %arg2[%select_n3A, %dma_wait3A_91, %dma_wait3A_92] : memref<4x4096x2048xf32, #tpu.memory_space<hbm>> -> memref<1x16x2048xf32, #tpu.memory_space<hbm>>
        %dma_wait3A_94 = tpu.memref_squeeze %dma_wait3A_93 : memref<1x16x2048xf32, #tpu.memory_space<hbm>> -> memref<16x2048xf32, #tpu.memory_space<hbm>>
        %dma_wait3A_95 = arith.constant 4080 : i32
        %dma_wait3A_96 = arith.constant 0 : i32
        %dma_wait3A_97 = tpu.memref_slice %arg2[%select_n3A, %dma_wait3A_95, %dma_wait3A_96] : memref<4x4096x2048xf32, #tpu.memory_space<hbm>> -> memref<1x16x2048xf32, #tpu.memory_space<hbm>>
        %dma_wait3A_98 = tpu.memref_squeeze %dma_wait3A_97 : memref<1x16x2048xf32, #tpu.memory_space<hbm>> -> memref<16x2048xf32, #tpu.memory_space<hbm>>
        tpu.wait_dma2 semaphore(%run_scoped3A : memref<!tpu.dma_semaphore, #tpu.memory_space<semaphore_mem>>) src(%dma_wait3A_98 : memref<16x2048xf32, #tpu.memory_space<hbm>>) dst(%arg7 : memref<16x2048xf32, #tpu.memory_space<vmem>>)
        tpu.yield
      }) : () -> ()
      %add3A_65 = arith.constant 4083 : i32
      %add3A_66 = vector.broadcast %add3A_65 : i32 to vector<16xi32>
      %add3A_67 = arith.addi %add3A_66, %iota3A : vector<16xi32>
      %dma_start3A_68 = arith.constant 0 : i32
      %dma_start3A_69 = arith.constant 0 : i32
      %dma_start3A_70 = tpu.memref_slice %arg4[%select_n3A, %dma_start3A_68, %dma_start3A_69] : memref<4x4099x2048xf32, #tpu.memory_space<hbm>> -> memref<1x4099x2048xf32, #tpu.memory_space<hbm>>
      %dma_start3A_71 = tpu.memref_squeeze %dma_start3A_70 : memref<1x4099x2048xf32, #tpu.memory_space<hbm>> -> memref<4099x2048xf32, #tpu.memory_space<hbm>>
      %dma_start3A_72 = arith.constant 0 : i32
      %dma_start3A_73 = arith.constant 0 : i32
      %dma_start3A_74 = tpu.memref_slice %dma_start3A_71[%dma_start3A_72, %dma_start3A_73] : memref<4099x2048xf32, #tpu.memory_space<hbm>> -> memref<4099x2048xf32, #tpu.memory_space<hbm>>
      tpu.enqueue_indirect_dma source(%arg7 : memref<16x2048xf32, #tpu.memory_space<vmem>>) target(%dma_start3A_74 : memref<4099x2048xf32, #tpu.memory_space<hbm>>) offsets(%add3A_67 : vector<16xi32>) semaphore(%arg9 : memref<!tpu.dma_semaphore, #tpu.memory_space<semaphore_mem>>)
      %dma_wait3A_75 = arith.constant 0 : i32
      %dma_wait3A_76 = arith.constant 0 : i32
      %dma_wait3A_77 = tpu.memref_slice %arg2[%select_n3A, %dma_wait3A_75, %dma_wait3A_76] : memref<4x4096x2048xf32, #tpu.memory_space<hbm>> -> memref<1x16x2048xf32, #tpu.memory_space<hbm>>
      %dma_wait3A_78 = tpu.memref_squeeze %dma_wait3A_77 : memref<1x16x2048xf32, #tpu.memory_space<hbm>> -> memref<16x2048xf32, #tpu.memory_space<hbm>>
      %dma_wait3A_79 = arith.constant 0 : i32
      %dma_wait3A_80 = arith.constant 0 : i32
      %dma_wait3A_81 = tpu.memref_slice %arg2[%select_n3A, %dma_wait3A_79, %dma_wait3A_80] : memref<4x4096x2048xf32, #tpu.memory_space<hbm>> -> memref<1x16x2048xf32, #tpu.memory_space<hbm>>
      %dma_wait3A_82 = tpu.memref_squeeze %dma_wait3A_81 : memref<1x16x2048xf32, #tpu.memory_space<hbm>> -> memref<16x2048xf32, #tpu.memory_space<hbm>>
      tpu.wait_dma2 semaphore(%arg9 : memref<!tpu.dma_semaphore, #tpu.memory_space<semaphore_mem>>) src(%dma_wait3A_82 : memref<16x2048xf32, #tpu.memory_space<hbm>>) dst(%arg7 : memref<16x2048xf32, #tpu.memory_space<vmem>>)
    } else {
    }
    %add3A_39 = arith.constant 0 : i32
    %add3A_40 = arith.addi %add3A_39, %select_n3A_30 : i32
    %mul3A_41 = arith.constant 16 : i32
    %mul3A_42 = arith.muli %mul3A_41, %add3A_40 : i32
    %add3A_43 = arith.constant 5 : i32
    %add3A_44 = arith.addi %add3A_43, %mul3A_42 : i32
    %add3A_45 = vector.broadcast %add3A_44 : i32 to vector<16xi32>
    %add3A_46 = arith.addi %add3A_45, %iota3A : vector<16xi32>
    %dma_start3A = arith.constant 0 : i32
    %dma_start3A_47 = arith.constant 0 : i32
    %dma_start3A_48 = tpu.memref_slice %arg2[%select_n3A, %dma_start3A, %dma_start3A_47] : memref<4x4096x2048xf32, #tpu.memory_space<hbm>> -> memref<1x4096x2048xf32, #tpu.memory_space<hbm>>
    %dma_start3A_49 = tpu.memref_squeeze %dma_start3A_48 : memref<1x4096x2048xf32, #tpu.memory_space<hbm>> -> memref<4096x2048xf32, #tpu.memory_space<hbm>>
    %dma_start3A_50 = arith.constant 0 : i32
    %dma_start3A_51 = arith.constant 0 : i32
    %dma_start3A_52 = tpu.memref_slice %dma_start3A_49[%dma_start3A_50, %dma_start3A_51] : memref<4096x2048xf32, #tpu.memory_space<hbm>> -> memref<4096x2048xf32, #tpu.memory_space<hbm>>
    tpu.enqueue_indirect_dma source(%dma_start3A_52 : memref<4096x2048xf32, #tpu.memory_space<hbm>>) target(%arg5 : memref<16x2048xf32, #tpu.memory_space<vmem>>) offsets(%add3A_46 : vector<16xi32>) semaphore(%arg8 : memref<!tpu.dma_semaphore, #tpu.memory_space<semaphore_mem>>)
    %scan3A = arith.constant 0 : i32
    %scan3A_53 = arith.constant 0 : i32
    %scan3A_54 = arith.constant 16 : i32
    %scan3A_55 = arith.addi %scan3A_53, %scan3A_54 : i32
    %scan3A_56 = arith.constant 1 : i32
    scf.for %scan3A_65 = %scan3A_53 to %scan3A_55 step %scan3A_56  : i32 {
      %mul3A_66 = arith.constant 2 : i32
      %mul3A_67 = arith.muli %scan3A_65, %mul3A_66 : i32
      %add3A_68 = arith.constant 0 : i32
      %add3A_69 = arith.addi %mul3A_67, %add3A_68 : i32
      %mul3A_70 = arith.constant 8 : i32
      %mul3A_71 = arith.muli %add3A_69, %mul3A_70 : i32
      %add3A_72 = arith.addi %mul3A_71, %select_n3A_30 : i32
      %lt3A_73 = arith.constant 255 : i32
      %lt3A_74 = arith.cmpi slt, %add3A_72, %lt3A_73 : i32
      %convert_element_type3A_75 = arith.extui %lt3A_74 : i1 to i32
      %cond3A_76 = arith.constant 0 : i32
      %cond3A_77 = arith.cmpi ne, %convert_element_type3A_75, %cond3A_76 : i32
      scf.if %cond3A_77 {
        %dma_wait3A_131 = arith.constant 0 : i32
        %dma_wait3A_132 = arith.constant 0 : i32
        %dma_wait3A_133 = tpu.memref_slice %arg2[%select_n3A, %dma_wait3A_131, %dma_wait3A_132] : memref<4x4096x2048xf32, #tpu.memory_space<hbm>> -> memref<1x16x2048xf32, #tpu.memory_space<hbm>>
        %dma_wait3A_134 = tpu.memref_squeeze %dma_wait3A_133 : memref<1x16x2048xf32, #tpu.memory_space<hbm>> -> memref<16x2048xf32, #tpu.memory_space<hbm>>
        %dma_wait3A_135 = arith.constant 0 : i32
        %dma_wait3A_136 = arith.constant 0 : i32
        %dma_wait3A_137 = tpu.memref_slice %arg2[%select_n3A, %dma_wait3A_135, %dma_wait3A_136] : memref<4x4096x2048xf32, #tpu.memory_space<hbm>> -> memref<1x16x2048xf32, #tpu.memory_space<hbm>>
        %dma_wait3A_138 = tpu.memref_squeeze %dma_wait3A_137 : memref<1x16x2048xf32, #tpu.memory_space<hbm>> -> memref<16x2048xf32, #tpu.memory_space<hbm>>
        tpu.wait_dma2 semaphore(%arg8 : memref<!tpu.dma_semaphore, #tpu.memory_space<semaphore_mem>>) src(%dma_wait3A_138 : memref<16x2048xf32, #tpu.memory_space<hbm>>) dst(%arg5 : memref<16x2048xf32, #tpu.memory_space<vmem>>)
        %mul3A_139 = arith.constant 8 : i32
        %mul3A_140 = arith.muli %add3A_69, %mul3A_139 : i32
        %add3A_141 = arith.addi %mul3A_140, %select_n3A_30 : i32
        %mul3A_142 = arith.constant 16 : i32
        %mul3A_143 = arith.muli %mul3A_142, %add3A_141 : i32
        %add3A_144 = arith.constant 8 : i32
        %add3A_145 = arith.addi %add3A_144, %mul3A_143 : i32
        %dma_start3A_146 = arith.constant 0 : i32
        %dma_start3A_147 = tpu.memref_slice %arg4[%select_n3A, %add3A_145, %dma_start3A_146] : memref<4x4099x2048xf32, #tpu.memory_space<hbm>> -> memref<1x16x2048xf32, #tpu.memory_space<hbm>>
        %dma_start3A_148 = tpu.memref_squeeze %dma_start3A_147 : memref<1x16x2048xf32, #tpu.memory_space<hbm>> -> memref<16x2048xf32, #tpu.memory_space<hbm>>
        %dma_start3A_149 = arith.constant 0 : i32
        %dma_start3A_150 = tpu.memref_slice %arg4[%select_n3A, %add3A_145, %dma_start3A_149] : memref<4x4099x2048xf32, #tpu.memory_space<hbm>> -> memref<1x16x2048xf32, #tpu.memory_space<hbm>>
        %dma_start3A_151 = tpu.memref_squeeze %dma_start3A_150 : memref<1x16x2048xf32, #tpu.memory_space<hbm>> -> memref<16x2048xf32, #tpu.memory_space<hbm>>
        tpu.enqueue_dma source(%arg5 : memref<16x2048xf32, #tpu.memory_space<vmem>>) target(%dma_start3A_151 : memref<16x2048xf32, #tpu.memory_space<hbm>>) target_semaphore(%arg9 : memref<!tpu.dma_semaphore, #tpu.memory_space<semaphore_mem>>)
      } else {
      }
      %ge3A = arith.constant 1 : i32
      %ge3A_78 = arith.cmpi sge, %add3A_69, %ge3A : i32
      %mul3A_79 = arith.constant 8 : i32
      %mul3A_80 = arith.muli %add3A_69, %mul3A_79 : i32
      %add3A_81 = arith.addi %mul3A_80, %select_n3A_30 : i32
      %lt3A_82 = arith.constant 255 : i32
      %lt3A_83 = arith.cmpi slt, %add3A_81, %lt3A_82 : i32
      %and3A_84 = arith.andi %ge3A_78, %lt3A_83 : i1
      %convert_element_type3A_85 = arith.extui %and3A_84 : i1 to i32
      %cond3A_86 = arith.constant 0 : i32
      %cond3A_87 = arith.cmpi ne, %convert_element_type3A_85, %cond3A_86 : i32
      scf.if %cond3A_87 {
        %dma_wait3A_131 = arith.constant 0 : i32
        %dma_wait3A_132 = arith.constant 0 : i32
        %dma_wait3A_133 = tpu.memref_slice %arg2[%select_n3A, %dma_wait3A_131, %dma_wait3A_132] : memref<4x4096x2048xf32, #tpu.memory_space<hbm>> -> memref<1x16x2048xf32, #tpu.memory_space<hbm>>
        %dma_wait3A_134 = tpu.memref_squeeze %dma_wait3A_133 : memref<1x16x2048xf32, #tpu.memory_space<hbm>> -> memref<16x2048xf32, #tpu.memory_space<hbm>>
        %dma_wait3A_135 = arith.constant 0 : i32
        %dma_wait3A_136 = arith.constant 0 : i32
        %dma_wait3A_137 = tpu.memref_slice %arg2[%select_n3A, %dma_wait3A_135, %dma_wait3A_136] : memref<4x4096x2048xf32, #tpu.memory_space<hbm>> -> memref<1x16x2048xf32, #tpu.memory_space<hbm>>
        %dma_wait3A_138 = tpu.memref_squeeze %dma_wait3A_137 : memref<1x16x2048xf32, #tpu.memory_space<hbm>> -> memref<16x2048xf32, #tpu.memory_space<hbm>>
        tpu.wait_dma2 semaphore(%arg9 : memref<!tpu.dma_semaphore, #tpu.memory_space<semaphore_mem>>) src(%dma_wait3A_138 : memref<16x2048xf32, #tpu.memory_space<hbm>>) dst(%arg5 : memref<16x2048xf32, #tpu.memory_space<vmem>>)
      } else {
      }
      %add3A_88 = arith.constant 1 : i32
      %add3A_89 = arith.addi %add3A_69, %add3A_88 : i32
      %mul3A_90 = arith.constant 8 : i32
      %mul3A_91 = arith.muli %add3A_89, %mul3A_90 : i32
      %add3A_92 = arith.addi %mul3A_91, %select_n3A_30 : i32
      %lt3A_93 = arith.constant 255 : i32
      %lt3A_94 = arith.cmpi slt, %add3A_92, %lt3A_93 : i32
      %convert_element_type3A_95 = arith.extui %lt3A_94 : i1 to i32
      %cond3A_96 = arith.constant 0 : i32
      %cond3A_97 = arith.cmpi ne, %convert_element_type3A_95, %cond3A_96 : i32
      scf.if %cond3A_97 {
        %add3A_131 = arith.constant 1 : i32
        %add3A_132 = arith.addi %add3A_69, %add3A_131 : i32
        %mul3A_133 = arith.constant 8 : i32
        %mul3A_134 = arith.muli %add3A_132, %mul3A_133 : i32
        %add3A_135 = arith.addi %mul3A_134, %select_n3A_30 : i32
        %mul3A_136 = arith.constant 16 : i32
        %mul3A_137 = arith.muli %mul3A_136, %add3A_135 : i32
        %add3A_138 = arith.constant 5 : i32
        %add3A_139 = arith.addi %add3A_138, %mul3A_137 : i32
        %add3A_140 = vector.broadcast %add3A_139 : i32 to vector<16xi32>
        %add3A_141 = arith.addi %add3A_140, %iota3A : vector<16xi32>
        %dma_start3A_142 = arith.constant 0 : i32
        %dma_start3A_143 = arith.constant 0 : i32
        %dma_start3A_144 = tpu.memref_slice %arg2[%select_n3A, %dma_start3A_142, %dma_start3A_143] : memref<4x4096x2048xf32, #tpu.memory_space<hbm>> -> memref<1x4096x2048xf32, #tpu.memory_space<hbm>>
        %dma_start3A_145 = tpu.memref_squeeze %dma_start3A_144 : memref<1x4096x2048xf32, #tpu.memory_space<hbm>> -> memref<4096x2048xf32, #tpu.memory_space<hbm>>
        %dma_start3A_146 = arith.constant 0 : i32
        %dma_start3A_147 = arith.constant 0 : i32
        %dma_start3A_148 = tpu.memref_slice %dma_start3A_145[%dma_start3A_146, %dma_start3A_147] : memref<4096x2048xf32, #tpu.memory_space<hbm>> -> memref<4096x2048xf32, #tpu.memory_space<hbm>>
        tpu.enqueue_indirect_dma source(%dma_start3A_148 : memref<4096x2048xf32, #tpu.memory_space<hbm>>) target(%arg6 : memref<16x2048xf32, #tpu.memory_space<vmem>>) offsets(%add3A_141 : vector<16xi32>) semaphore(%arg8 : memref<!tpu.dma_semaphore, #tpu.memory_space<semaphore_mem>>)
      } else {
      }
      %mul3A_98 = arith.constant 2 : i32
      %mul3A_99 = arith.muli %scan3A_65, %mul3A_98 : i32
      %add3A_100 = arith.constant 1 : i32
      %add3A_101 = arith.addi %mul3A_99, %add3A_100 : i32
      %mul3A_102 = arith.constant 8 : i32
      %mul3A_103 = arith.muli %add3A_101, %mul3A_102 : i32
      %add3A_104 = arith.addi %mul3A_103, %select_n3A_30 : i32
      %lt3A_105 = arith.constant 255 : i32
      %lt3A_106 = arith.cmpi slt, %add3A_104, %lt3A_105 : i32
      %convert_element_type3A_107 = arith.extui %lt3A_106 : i1 to i32
      %cond3A_108 = arith.constant 0 : i32
      %cond3A_109 = arith.cmpi ne, %convert_element_type3A_107, %cond3A_108 : i32
      scf.if %cond3A_109 {
        %dma_wait3A_131 = arith.constant 0 : i32
        %dma_wait3A_132 = arith.constant 0 : i32
        %dma_wait3A_133 = tpu.memref_slice %arg2[%select_n3A, %dma_wait3A_131, %dma_wait3A_132] : memref<4x4096x2048xf32, #tpu.memory_space<hbm>> -> memref<1x16x2048xf32, #tpu.memory_space<hbm>>
        %dma_wait3A_134 = tpu.memref_squeeze %dma_wait3A_133 : memref<1x16x2048xf32, #tpu.memory_space<hbm>> -> memref<16x2048xf32, #tpu.memory_space<hbm>>
        %dma_wait3A_135 = arith.constant 0 : i32
        %dma_wait3A_136 = arith.constant 0 : i32
        %dma_wait3A_137 = tpu.memref_slice %arg2[%select_n3A, %dma_wait3A_135, %dma_wait3A_136] : memref<4x4096x2048xf32, #tpu.memory_space<hbm>> -> memref<1x16x2048xf32, #tpu.memory_space<hbm>>
        %dma_wait3A_138 = tpu.memref_squeeze %dma_wait3A_137 : memref<1x16x2048xf32, #tpu.memory_space<hbm>> -> memref<16x2048xf32, #tpu.memory_space<hbm>>
        tpu.wait_dma2 semaphore(%arg8 : memref<!tpu.dma_semaphore, #tpu.memory_space<semaphore_mem>>) src(%dma_wait3A_138 : memref<16x2048xf32, #tpu.memory_space<hbm>>) dst(%arg5 : memref<16x2048xf32, #tpu.memory_space<vmem>>)
        %mul3A_139 = arith.constant 8 : i32
        %mul3A_140 = arith.muli %add3A_101, %mul3A_139 : i32
        %add3A_141 = arith.addi %mul3A_140, %select_n3A_30 : i32
        %mul3A_142 = arith.constant 16 : i32
        %mul3A_143 = arith.muli %mul3A_142, %add3A_141 : i32
        %add3A_144 = arith.constant 8 : i32
        %add3A_145 = arith.addi %add3A_144, %mul3A_143 : i32
        %dma_start3A_146 = arith.constant 0 : i32
        %dma_start3A_147 = tpu.memref_slice %arg4[%select_n3A, %add3A_145, %dma_start3A_146] : memref<4x4099x2048xf32, #tpu.memory_space<hbm>> -> memref<1x16x2048xf32, #tpu.memory_space<hbm>>
        %dma_start3A_148 = tpu.memref_squeeze %dma_start3A_147 : memref<1x16x2048xf32, #tpu.memory_space<hbm>> -> memref<16x2048xf32, #tpu.memory_space<hbm>>
        %dma_start3A_149 = arith.constant 0 : i32
        %dma_start3A_150 = tpu.memref_slice %arg4[%select_n3A, %add3A_145, %dma_start3A_149] : memref<4x4099x2048xf32, #tpu.memory_space<hbm>> -> memref<1x16x2048xf32, #tpu.memory_space<hbm>>
        %dma_start3A_151 = tpu.memref_squeeze %dma_start3A_150 : memref<1x16x2048xf32, #tpu.memory_space<hbm>> -> memref<16x2048xf32, #tpu.memory_space<hbm>>
        tpu.enqueue_dma source(%arg6 : memref<16x2048xf32, #tpu.memory_space<vmem>>) target(%dma_start3A_151 : memref<16x2048xf32, #tpu.memory_space<hbm>>) target_semaphore(%arg9 : memref<!tpu.dma_semaphore, #tpu.memory_space<semaphore_mem>>)
      } else {
      }
      %ge3A_110 = arith.constant 1 : i32
      %ge3A_111 = arith.cmpi sge, %add3A_101, %ge3A_110 : i32
      %mul3A_112 = arith.constant 8 : i32
      %mul3A_113 = arith.muli %add3A_101, %mul3A_112 : i32
      %add3A_114 = arith.addi %mul3A_113, %select_n3A_30 : i32
      %lt3A_115 = arith.constant 255 : i32
      %lt3A_116 = arith.cmpi slt, %add3A_114, %lt3A_115 : i32
      %and3A_117 = arith.andi %ge3A_111, %lt3A_116 : i1
      %convert_element_type3A_118 = arith.extui %and3A_117 : i1 to i32
      %cond3A_119 = arith.constant 0 : i32
      %cond3A_120 = arith.cmpi ne, %convert_element_type3A_118, %cond3A_119 : i32
      scf.if %cond3A_120 {
        %dma_wait3A_131 = arith.constant 0 : i32
        %dma_wait3A_132 = arith.constant 0 : i32
        %dma_wait3A_133 = tpu.memref_slice %arg2[%select_n3A, %dma_wait3A_131, %dma_wait3A_132] : memref<4x4096x2048xf32, #tpu.memory_space<hbm>> -> memref<1x16x2048xf32, #tpu.memory_space<hbm>>
        %dma_wait3A_134 = tpu.memref_squeeze %dma_wait3A_133 : memref<1x16x2048xf32, #tpu.memory_space<hbm>> -> memref<16x2048xf32, #tpu.memory_space<hbm>>
        %dma_wait3A_135 = arith.constant 0 : i32
        %dma_wait3A_136 = arith.constant 0 : i32
        %dma_wait3A_137 = tpu.memref_slice %arg2[%select_n3A, %dma_wait3A_135, %dma_wait3A_136] : memref<4x4096x2048xf32, #tpu.memory_space<hbm>> -> memref<1x16x2048xf32, #tpu.memory_space<hbm>>
        %dma_wait3A_138 = tpu.memref_squeeze %dma_wait3A_137 : memref<1x16x2048xf32, #tpu.memory_space<hbm>> -> memref<16x2048xf32, #tpu.memory_space<hbm>>
        tpu.wait_dma2 semaphore(%arg9 : memref<!tpu.dma_semaphore, #tpu.memory_space<semaphore_mem>>) src(%dma_wait3A_138 : memref<16x2048xf32, #tpu.memory_space<hbm>>) dst(%arg5 : memref<16x2048xf32, #tpu.memory_space<vmem>>)
      } else {
      }
      %add3A_121 = arith.constant 1 : i32
      %add3A_122 = arith.addi %add3A_101, %add3A_121 : i32
      %mul3A_123 = arith.constant 8 : i32
      %mul3A_124 = arith.muli %add3A_122, %mul3A_123 : i32
      %add3A_125 = arith.addi %mul3A_124, %select_n3A_30 : i32
      %lt3A_126 = arith.constant 255 : i32
      %lt3A_127 = arith.cmpi slt, %add3A_125, %lt3A_126 : i32
      %convert_element_type3A_128 = arith.extui %lt3A_127 : i1 to i32
      %cond3A_129 = arith.constant 0 : i32
      %cond3A_130 = arith.cmpi ne, %convert_element_type3A_128, %cond3A_129 : i32
      scf.if %cond3A_130 {
        %add3A_131 = arith.constant 1 : i32
        %add3A_132 = arith.addi %add3A_101, %add3A_131 : i32
        %mul3A_133 = arith.constant 8 : i32
        %mul3A_134 = arith.muli %add3A_132, %mul3A_133 : i32
        %add3A_135 = arith.addi %mul3A_134, %select_n3A_30 : i32
        %mul3A_136 = arith.constant 16 : i32
        %mul3A_137 = arith.muli %mul3A_136, %add3A_135 : i32
        %add3A_138 = arith.constant 5 : i32
        %add3A_139 = arith.addi %add3A_138, %mul3A_137 : i32
        %add3A_140 = vector.broadcast %add3A_139 : i32 to vector<16xi32>
        %add3A_141 = arith.addi %add3A_140, %iota3A : vector<16xi32>
        %dma_start3A_142 = arith.constant 0 : i32
        %dma_start3A_143 = arith.constant 0 : i32
        %dma_start3A_144 = tpu.memref_slice %arg2[%select_n3A, %dma_start3A_142, %dma_start3A_143] : memref<4x4096x2048xf32, #tpu.memory_space<hbm>> -> memref<1x4096x2048xf32, #tpu.memory_space<hbm>>
        %dma_start3A_145 = tpu.memref_squeeze %dma_start3A_144 : memref<1x4096x2048xf32, #tpu.memory_space<hbm>> -> memref<4096x2048xf32, #tpu.memory_space<hbm>>
        %dma_start3A_146 = arith.constant 0 : i32
        %dma_start3A_147 = arith.constant 0 : i32
        %dma_start3A_148 = tpu.memref_slice %dma_start3A_145[%dma_start3A_146, %dma_start3A_147] : memref<4096x2048xf32, #tpu.memory_space<hbm>> -> memref<4096x2048xf32, #tpu.memory_space<hbm>>
        tpu.enqueue_indirect_dma source(%dma_start3A_148 : memref<4096x2048xf32, #tpu.memory_space<hbm>>) target(%arg5 : memref<16x2048xf32, #tpu.memory_space<vmem>>) offsets(%add3A_141 : vector<16xi32>) semaphore(%arg8 : memref<!tpu.dma_semaphore, #tpu.memory_space<semaphore_mem>>)
      } else {
      }
    }
    %scan3A_57 = arith.constant 16 : i32
    %dma_wait3A = arith.constant 0 : i32
    %dma_wait3A_58 = arith.constant 0 : i32
    %dma_wait3A_59 = tpu.memref_slice %arg2[%select_n3A, %dma_wait3A, %dma_wait3A_58] : memref<4x4096x2048xf32, #tpu.memory_space<hbm>> -> memref<1x16x2048xf32, #tpu.memory_space<hbm>>
    %dma_wait3A_60 = tpu.memref_squeeze %dma_wait3A_59 : memref<1x16x2048xf32, #tpu.memory_space<hbm>> -> memref<16x2048xf32, #tpu.memory_space<hbm>>
    %dma_wait3A_61 = arith.constant 0 : i32
    %dma_wait3A_62 = arith.constant 0 : i32
    %dma_wait3A_63 = tpu.memref_slice %arg2[%select_n3A, %dma_wait3A_61, %dma_wait3A_62] : memref<4x4096x2048xf32, #tpu.memory_space<hbm>> -> memref<1x16x2048xf32, #tpu.memory_space<hbm>>
    %dma_wait3A_64 = tpu.memref_squeeze %dma_wait3A_63 : memref<1x16x2048xf32, #tpu.memory_space<hbm>> -> memref<16x2048xf32, #tpu.memory_space<hbm>>
    tpu.wait_dma2 semaphore(%arg9 : memref<!tpu.dma_semaphore, #tpu.memory_space<semaphore_mem>>) src(%dma_wait3A_64 : memref<16x2048xf32, #tpu.memory_space<hbm>>) dst(%arg5 : memref<16x2048xf32, #tpu.memory_space<vmem>>)
    return
  }
}

</mosaic_0001>

<sc_bundles>
// kernel: kernel.3.cloned.1.call-start
scs
__scs_entry_jumppad:
0x0: {  	(pc) =	sbr.rel $0x88, $3  }
0x1: {  	(tag) =	ssettag $0x0;
	lr =	simm.s32 $0x1  }
0x2: {  	[smem:$0x3F9F] =	sst lr;
	_ =	strace $0xD0000000  }
0x3: {  	_ = 	snop  }
0x4: {  	_ = 	snop  }
0x5: {  	_ = 	snop  }
0x6: {  	_ = 	snop  }
0x7: {  	_ = 	snop  }
__scs_overlays_trampoline_lowered:
0x8: {  	[smem:$0x3FAE] =	sst s0  }
0x9: {  	[smem:$0x3FAF] =	sst s1  }
0xa: {  	[smem:$0x3FB0] =	sst s2  }
0xb: {  	[smem:$0x3FB1] =	sst s3  }
0xc: {  	[smem:$0x3FB2] =	sst s4  }
0xd: {  	[smem:$0x3FB3] =	sst s5  }
0xe: {  	[smem:$0x3FB4] =	sst s6  }
0xf: {  	[smem:$0x3FB5] =	sst s7  }
0x10: {  	[smem:$0x3FB6] =	sst s8  }
0x11: {  	[smem:$0x3FB7] =	sst s9;
	s0 =	simm.s32 @!p0 $0x0  }
0x12: {  	s1 =	sld [smem:$0x3F9D];
	s0 =	simm.s32 @p0 $0x1  }
0x13: {  	[smem:$0x3FB8] =	sst s0;
	s0 =	simm.s32 @!p1 $0x0  }
0x14: {  	s2 =	sld [smem:$0x3F9C];
	s0 =	simm.s32 @p1 $0x1  }
0x15: {  	[smem:$0x3FB9] =	sst s0;
	s0 =	simm.s32 @!p2 $0x0  }
0x16: {  	s3 =	sld [smem:$0x3FDB];
	s0 =	simm.s32 @p2 $0x1  }
0x17: {  	s4 =	simm.s32 $0x1BF5;
	[smem:$0x3FBB] =	sst s0  }
0x18: {  	s0 =	sld [smem:$0x3F9E];
	_ =	swait.ge [sflag:s4], $0x0  }
0x19: {  	s7 =	sld [smem:$0x3F9F]  }
0x1a: {  	s8 =	sadd.s32 $0xFFFFE003, lr  }
0x1b: {  	s9 =	sadd.s32 $0xFFFFFEF7, lr;
	s5 =	simm.s32 $0xFFFFFFFF;
	p2 =	slt.u32 s8, $0xFFFFF086  }
0x1c: {  	p1 =	slt.u32 s9, $0xF7A;
	s5 =	simm.s32 @!p2 $0x0  }
0x1d: {  	s5 =	simm.s32 @p1 $0x1;
	p0 =	seq.s32 s7, s2  }
0x1e: {  	s7 =	smul.u32 @!p0 $0xF7A, s2;
	p2 =	seq.s32 @!p0 s5, $0x0  }
0x1f: {  	s9 =	smul.u32 $0xF7A, s1;
	s8 =	simm.s32 @!p0 $0x1BF5;
	p2 =	por !p2, p0  }
0x20: {  	[sflag:s8] =	ssyncset.s32 @!p0 $0xFFFFF086;
	s6 =	sadd.s32 @!p0 s3, s7;
	s7 =	simm.s32 @!p0 $0x108  }
0x21: {  	s3 =	sadd.s32 s3, s9;
	s6 =	sadd.s32 @!p0 $0x88, s6;
	s7 =	simm.s32 @p2 $0x1082  }
0x22: {  	[simem:s7], [sflag:s8] =	dma.local @!p0 [hbm:s6], $0xF7A  }
0x23: {  	s9 =	sor.u32 $0xD0000000, s2;
	s6 =	simm.s32 $0x108;
	_ =	swait.ge @!p0 [sflag:s8], $0x0  }
0x24: {  	s3 =	sadd.s32 $0x88, s3;
	s6 =	simm.s32 @!p1 $0x1082;
	[sflag:s4] =	ssyncset.s32 $0xFFFFF086  }
0x25: {  	[simem:s6], [sflag:s4] =	dma.local [hbm:s3], $0xF7A  }
0x26: {  	[smem:$0x3F9F] =	sst s1;
	(tag) =	ssettag s2;
	_ =	strace s9  }
0x27: {  	s1 =	sld [smem:$0x3FAF]  }
0x28: {  	s2 =	sld [smem:$0x3FB0]  }
0x29: {  	s4 =	sld [smem:$0x3FB2]  }
0x2a: {  	p0 =	seq.s32 s5, $0x0;
	s5 =	sld [smem:$0x3FB3]  }
0x2b: {  	s6 =	sld [smem:$0x3FB4]  }
0x2c: {  	s7 =	sld [smem:$0x3FB5]  }
0x2d: {  	s3 =	simm.s32 $0x108;
	s8 =	sld [smem:$0x3FB6]  }
0x2e: {  	s3 =	simm.s32 @!p0 $0x1082;
	s9 =	sld [smem:$0x3FB7]  }
0x2f: {  	lr =	sadd.s32 s0, s3;
	s0 =	sld [smem:$0x3FAE]  }
0x30: {  	s3 =	sld [smem:$0x3FB1]  }
0x31: {  	[smem:$0x3FBA] =	sst s10  }
0x32: {  	s10 =	sld [smem:$0x3FB8];
	_ =	sdelay $0x3  }
0x33: {  	p0 =	seq.s32 s10, $0x1;
	s10 =	sld [smem:$0x3FBA];
	_ =	sdelay $0x3  }
0x34: {  	[smem:$0x3FBA] =	sst s10  }
0x35: {  	s10 =	sld [smem:$0x3FB9];
	_ =	sdelay $0x3  }
0x36: {  	p1 =	seq.s32 s10, $0x1;
	s10 =	sld [smem:$0x3FBA];
	_ =	sdelay $0x3  }
0x37: {  	[smem:$0x3FBA] =	sst s10  }
0x38: {  	s10 =	sld [smem:$0x3FBB]  }
0x39: {  	_ = 	snop;
	(pc) =	sbr.ind lr, $3  }
0x3a: {  	_ = 	snop  }
0x3b: {  	_ = 	snop  }
0x3c: {  	p2 =	seq.s32 s10, $0x1;
	s10 =	sld [smem:$0x3FBA]  }
0x3d: {  	_ =	shalt  }
0x3e: {  	_ =	shalt  }
0x3f: {  	_ =	shalt  }
0x40: {  	_ =	shalt  }
0x41: {  	_ =	shalt  }
0x42: {  	_ =	shalt  }
0x43: {  	_ =	shalt  }
0x44: {  	_ =	shalt  }
0x45: {  	_ =	shalt  }
0x46: {  	_ =	shalt  }
0x47: {  	_ =	shalt  }
0x48: {  	_ =	shalt  }
0x49: {  	_ =	shalt  }
0x4a: {  	_ =	shalt  }
0x4b: {  	_ =	shalt  }
0x4c: {  	_ =	shalt  }
0x4d: {  	_ =	shalt  }
0x4e: {  	_ =	shalt  }
0x4f: {  	_ =	shalt  }
0x50: {  	_ =	shalt  }
0x51: {  	_ =	shalt  }
0x52: {  	_ =	shalt  }
0x53: {  	_ =	shalt  }
0x54: {  	_ =	shalt  }
0x55: {  	_ =	shalt  }
0x56: {  	_ =	shalt  }
0x57: {  	_ =	shalt  }
0x58: {  	_ =	shalt  }
0x59: {  	_ =	shalt  }
0x5a: {  	_ =	shalt  }
0x5b: {  	_ =	shalt  }
0x5c: {  	_ =	shalt  }
0x5d: {  	_ =	shalt  }
0x5e: {  	_ =	shalt  }
0x5f: {  	_ =	shalt  }
0x60: {  	_ =	shalt  }
0x61: {  	_ =	shalt  }
0x62: {  	_ =	shalt  }
0x63: {  	_ =	shalt  }
0x64: {  	_ =	shalt  }
0x65: {  	_ =	shalt  }
0x66: {  	_ =	shalt  }
0x67: {  	_ =	shalt  }
0x68: {  	_ =	shalt  }
0x69: {  	_ =	shalt  }
0x6a: {  	_ =	shalt  }
0x6b: {  	_ =	shalt  }
0x6c: {  	_ =	shalt  }
0x6d: {  	_ =	shalt  }
0x6e: {  	_ =	shalt  }
0x6f: {  	_ =	shalt  }
0x70: {  	_ =	shalt  }
0x71: {  	_ =	shalt  }
0x72: {  	_ =	shalt  }
0x73: {  	_ =	shalt  }
0x74: {  	_ =	shalt  }
0x75: {  	_ =	shalt  }
0x76: {  	_ =	shalt  }
0x77: {  	_ =	shalt  }
0x78: {  	_ =	shalt  }
0x79: {  	_ =	shalt  }
0x7a: {  	_ =	shalt  }
0x7b: {  	_ =	shalt  }
0x7c: {  	_ =	shalt  }
0x7d: {  	_ =	shalt  }
0x7e: {  	_ =	shalt  }
0x7f: {  	_ =	shalt  }
0x80: {  	_ =	shalt  }
0x81: {  	_ =	shalt  }
0x82: {  	_ =	shalt  }
0x83: {  	_ =	shalt  }
0x84: {  	_ =	shalt  }
0x85: {  	_ =	shalt  }
0x86: {  	_ =	shalt  }
0x87: {  	_ =	shalt  }
.Lfunc_end0:
.L_simem_size_0:
called_computation_lowered:
.L_overlay_start_0:
0x88: {  	s2 =	sld [smem:$0x3FD9]  }
0x89: {  	s3 =	sld [smem:$0x3FFE];
	_ =	sdelay $0x1  }
0x8a: {  	s1 =	srdreg.scid  }
0x8b: {  	s0 =	sand.u32 $0x1, s1  }
0x8c: {  	s17 =	sshll.u32 s0, $0xA;
	s2 =	sadd.s32 s3, s2  }
0x8d: {  	s2 =	sadd.s32 s2, s17  }
0x8e: {  	[smem:$0x3FC6] =	sst s2  }
0x8f: {  	_ = 	snop  }
0x90: {  	s2 =	sld [smem:$0x3FC9]  }
0x91: {  	s18 =	sld [smem:$0x3FC8];
	(tm) =	ssettm $0x1  }
0x92: {  	s4 =	sld [smem:$0x3FFB];
	_ =	sdelay $0x3  }
0x93: {  	_ =	strace s4  }
0x94: {  	s4 =	sld [smem:$0x3FFC];
	_ =	sdelay $0x3  }
0x95: {  	_ =	strace s4  }
0x96: {  	s4 =	sld [smem:$0x3FFD];
	_ =	sdelay $0x3  }
0x97: {  	_ =	strace s4  }
0x98: {  	_ =	strace $0x8FFFFFFF  }
0x99: {  	s19 =	sld [smem:$0x3FDB];
	_ =	sdelay $0x1  }
0x9a: {  	s5 =	simm.s32 $_scs_section_size  }
0x9b: {  	s6 =	simm.s32 $_size__tile_overlayer_lowered;
	s7 =	simm.s32 $_tile_overlayer_lowered  }
0x9c: {  	s22 =	simm.s32 $0x1BFF;
	s21 =	sshll.u32 s7, $0x1;
	s4 =	sadd.s32 s5, s19  }
0x9d: {  	s8 =	simm.s32 $0x0;
	s20 =	sshll.u32 s6, $0x1;
	s6 =	sadd.s32 s21, s4  }
0x9e: {  	[timem:s8], [sflag:s22] =	dma.local [hbm:s6], s20  }
0x9f: {  	_ =	swait.ge [sflag:s22], s20  }
0xa0: {  	s5 =	ssub.s32 $0x0, s20;
	[sflag:s22] =	ssyncset.done $0x0  }
0xa1: {  	[sflag:s22] =	ssyncadd.s32 s5;
	_ =	sdelay $0x1  }
0xa2: {  	s23 =	simm.s32 $0x1B8B  }
0xa3: {  	_ =	swait.ge [sflag:s23], $0x1  }
0xa4: {  	[sflag:s23] =	ssyncset.done $0x0  }
0xa5: {  	s25 =	simm.s32 $0x1B8E;
	s24 =	sld [smem:$0x3FFE];
	[sflag:s23] =	ssyncadd.s32 $0xFFFFFFFF  }
0xa6: {  	s26 =	simm.s32 $execute0_lowered;
	[smem:$0x3FD2] =	sst s25  }
0xa7: {  	s6 =	sshll.u32 s26, $0x1;
	_ =	strace $0x80000046;
	[dreg:$0x1] =	wrdreg $0xFFFFFFFF  }
0xa8: {  	s28 =	simm.s32 $_size_execute0_lowered;
	s4 =	sadd.s32 s4, s6;
	[dreg:$0x0] =	wrdreg $0x0  }
0xa9: {  	s6 =	sshll.u32 s28, $0x1;
	[dreg:$0x2] =	wrdreg s4  }
0xaa: {  	[dreg:$0x3] =	wrdreg s6  }
0xab: {  	[dreg:$0x4] =	wrdreg $0xC0  }
0xac: {  	_ =	task [dreg:s8], $0x5FFFF  }
0xad: {  	[dreg:$0x1] =	wrdreg $0xFFFFFFFF  }
0xae: {  	[dreg:$0x0] =	wrdreg $0x60  }
0xaf: {  	[dreg:$0x2] =	wrdreg s2  }
0xb0: {  	[dreg:$0x3] =	wrdreg s18  }
0xb1: {  	[dreg:$0x4] =	wrdreg s24  }
0xb2: {  	[dreg:$0x5] =	wrdreg $0x9  }
0xb3: {  	_ =	task.clear_ibuf [dreg:s8], $0x6FFFF;
	_ =	strace $0x90000046  }
0xb4: {  	s29 =	simm.s32 $0x9;
	_ =	strace $0x80000048  }
0xb5: {  	_ =	swait.ge [sflag:s29], $0x1  }
0xb6: {  	[sflag:s29] =	ssyncadd.s32 $0xFFFFFFFF  }
0xb7: {  	_ =	strace $0x90000048  }
0xb8: {  	_ =	sfence  }
0xb9: {  	s30 =	sld [smem:$0x0];
	_ =	sdelay $0x2  }
0xba: {  	s31 =	sshll.u32 s1, $0xD;
	s1 =	sshrl.u32 s1, $0x2  }
0xbb: {  	s3 =	sand.u32 $0x4000, s31;
	s1 =	sadd.s32 s1, s30  }
0xbc: {  	s0 =	sor.u32 s3, s0;
	s1 =	sshll.u32 s1, $0x11  }
0xbd: {  	s0 =	sor.u32 s1, s0  }
0xbe: {  	s0 =	sadd.s32 $0x8F2B, s0  }
0xbf: {  	[sflag:s0] =	ssyncadd.remote.s32 $0x1  }
0xc0: {  	_ =	sfence.sel $0xFFFF  }
0xc1: {  	[dreg:$0x0] =	wrdreg $0xFFFFFFFF;
	(pc) =	sbr.abs _section_cstart, $3  }
0xc2: {  	[dreg:$0x1] =	wrdreg $0xFFFFFFFF  }
0xc3: {  	_ =	task.clear_ibuf [dreg:s8], $0x2FFFF;
	_ =	strace $0x9FFFFFFF  }
0xc4: {  	(tm) =	ssettm $0x7FFFFFFF  }
0xc5: {  	_ =	shalt  }
tec
execute0_lowered:
.L_overlay_start_1:
0x0: {  	(tag) =	ssettag $0x1  }
0x1: {  	s2 =	rddreg [dreg:$0x0]  }
0x2: {  	s11 =	rddreg [dreg:$0x1]  }
0x3: {  	s0 =	rddreg [dreg:$0x2];
	s3 =	simm.s32 $0x0;
	s1 =	srdreg.scid  }
0x4: {  	s12 =	stileid.u32;
	s29 =	simm.s32 $0x0;
	[smem:$0x7FF] =	sst s3  }
0x5: {  	s5 =	sand.u32 $0x1, s1;
	s1 =	sadd.s32 $0x400, s0;
	s24 =	sshll.u32 s12, $0x1  }
0x6: {  	s7 =	sshrl.u32 s12, $0x2;
	s31 =	sadd.s32 $0x40, s11;
	s13 =	sadd.s32 $0x100, s11  }
0x7: {  	v0 =	vimm.s32 $0x10002;
	vm0 =	vcmask $0x300;
	s14 =	sadd.s32 $0x140, s11;
	s15 =	sadd.s32 $0x180, s11;
	s16 =	sand.u32 $0x3, s12  }
0x8: {  	v0 =	vsel vm0, $0xFF03, v0;
	vm0 =	vcmask $0x704;
	s17 =	sadd.s32 $0x1C0, s11;
	_ =	strace $0x80000047;
	[dreg:$0x6] =	wrdreg s31  }
0x9: {  	s18 =	sadd.s32 $0x200, s11;
	s20 =	sadd.s32 $0x240, s11;
	[dreg:$0x9] =	wrdreg s13;
	v0 =	vsel vm0, $0xFF04, v0;
	vm0 =	vcmask $0xB08  }
0xa: {  	v1 =	vlaneseq.u32;
	s22 =	sadd.s32 $0x280, s11;
	s4 =	ssub.s32 $0x2, s5;
	[dreg:$0xa] =	wrdreg s14;
	v0 =	vsel vm0, $0xFF05, v0;
	vm0 =	vcmask $0xF0C  }
0xb: {  	v4 =	vimm.s32 $0x76543;
	s0 =	sand.u32 $0x6, s24;
	s8 =	sshll.u32 s7, $0x14;
	[dreg:$0xb] =	wrdreg s15;
	v0 =	vsel vm0, $0xFF06, v0;
	vm0 =	vcmask $0x1310  }
0xc: {  	vm1 =	vcmask $0x3B38;
	s9 =	smul.u32 $0x100800, s7;
	[dreg:$0xc] =	wrdreg s17;
	s0 =	sor.u32 s5, s0;
	v0 =	vsel vm0, $0xFF07, v0;
	vm0 =	vcmask $0x1714  }
0xd: {  	v5 =	vimm.s32 $0x86858487;
	[dreg:$0xd] =	wrdreg s18;
	s6 =	sshrl.u32 s4, $0x1;
	s25 =	sshll.u32 s0, $0x4;
	v0 =	vsel vm0, $0xFF80, v0;
	vm0 =	vcmask $0x1B18  }
0xe: {  	v4 =	vunpack.c.l.s4.s8 v4;
	s10 =	ssub.s32 s4, s6;
	s4 =	sadd.s32 s2, s8;
	s2 =	sor.u32 $0x5, s25;
	v0 =	vsel vm0, $0xFF81, v0;
	vm0 =	vcmask $0x1F1C  }
0xf: {  	s23 =	sadd.s32 $0x2C0, s11;
	s28 =	smul.u32 $0x804000, s7;
	[dreg:$0xe] =	wrdreg s20;
	v2 =	vadd.s32 s2, v1;
	v0 =	vsel vm0, $0xFF82, v0;
	vm0 =	vcmask $0x2320  }
0x10: {  	s19 =	sshll.u32 s16, $0x10;
	s21 =	sshll.u32 s5, $0xF;
	[dreg:$0xf] =	wrdreg s22;
	v3 =	vshll.u32 v2, $0x4;
	v0 =	vsel vm0, $0xFF83, v0;
	vm0 =	vcmask $0x2724  }
0x11: {  	[dreg:$0x10] =	wrdreg s23;
	s24 =	sadd.s32 $0x300, s11;
	s31 =	sadd.s32 $0x3C0, s11;
	v2 =	vand.u32 $0x7, v2;
	v0 =	vsel vm0, $0xFF84, v0;
	vm0 =	vcmask $0x2B28  }
0x12: {  	s13 =	simm.s32 $0x15000;
	s23 =	simm.s32 $0x12C00;
	[dreg:$0x11] =	wrdreg s24;
	v3 =	vand.u32 $0x7FFFFF80, v3;
	v0 =	vsel vm0, $0xFF85, v0;
	vm0 =	vcmask $0x2F2C  }
0x13: {  	s5 =	sshll.u32 s5, $0x4;
	[dreg:$0x14] =	wrdreg s31;
	s24 =	simm.s32 $0x14800;
	v2 =	vor.u32 v2, v3;
	v0 =	vsel vm0, $0xFF86, v0;
	vm0 =	vcmask $0x3330  }
0x14: {  	s6 =	sadd.s32 s1, s9;
	s9 =	sadd.s32 $0x80, s11;
	p0 =	seq.s32 s0, $0x1;
	v3 =	vimm.s32 $0x82818083;
	v0 =	vsel vm0, $0xFF87, v0;
	vm0 =	vcmask $0x3734  }
0x15: {  	v4 =	vunpack.c.0.s8.s32 v4;
	p1 =	sne.s32 s0, $0x0;
	s0 =	sor.u32 $0x10, s0;
	[dreg:$0x7] =	wrdreg s9;
	v3 =	vunpack.c.0.s8.s32 v3;
	v0 =	vsel vm0, $0x10000, v0  }
0x16: {  	vm2 =	vcmask $0x1300;
	s8 =	sadd.s32 s19, s28;
	s26 =	sadd.s32 $0xFF000, s4;
	[dreg:$0x16] =	wrdreg s0;
	v6 =	vsel vm1, $0x10001, v0;
	v0 =	vunpack.c.0.s8.s32 v5  }
0x17: {  	s30 =	smax.u32 s10, $0x1;
	s10 =	sadd.s32 $0xC0, s11;
	v4 =	vnsel vm2, $0x102, v4;
	vm2 =	vcmask $0x2314;
	[dreg:$0x4] =	wrdreg s26;
	v3 =	vand.u32 $0xFF, v3  }
0x18: {  	s8 =	sadd.s32 s21, s8;
	s9 =	sshll.u32 s16, $0x5;
	[dreg:$0x5] =	wrdreg s30;
	v3 =	vsel vm2, v3, v4;
	vm2 =	vcmask $0x3324;
	v0 =	vand.u32 $0xFF, v0  }
0x19: {  	[dreg:$0x8] =	wrdreg s10;
	s20 =	sor.u32 s5, s9;
	s25 =	sadd.s32 $0x44000, s8;
	v4 =	vand.u32 $0x7, v1;
	v5 =	vshrl.u32 v1, $0x3;
	v3 =	vsel vm2, v0, v3  }
0x1a: {  	s8 =	sadd.s32 $0x4000, s8;
	s26 =	sadd.s32 $0x340, s11;
	s30 =	sadd.s32 $0x380, s11;
	v7 =	vperm.xlane v6, v4;
	v0 =	vmul.u32 $0x8, v5;
	v3 =	vsel vm0, $0x100, v3  }
0x1b: {  	v8 =	vor.u32 $0x8, v1;
	s10 =	simm.s32 $0x13800;
	s5 =	sshrl.u32 s25, $0x3;
	[dreg:$0x12] =	wrdreg s26;
	v5 =	vperm.xlane v2, v4;
	v9 =	vsel vm1, $0x101, v3  }
0x1c: {  	s8 =	sshrl.u32 s8, $0x3;
	[dreg:$0x13] =	wrdreg s30;
	s28 =	sadd.s32 s5, s1;
	v1 =	vadd.s32 v0, v7;
	v7 =	vperm.xlane v2, v8;
	v10 =	vperm.xlane v9, v4  }
0x1d: {  	s9 =	simm.s32 $0x14000;
	s1 =	sadd.s32 s8, s1;
	[dreg:$0x15] =	wrdreg s28;
	vm0 =	vmmov $0xffff;
	v2 =	vperm.xlane v6, v8;
	v3 =	vadd.s32 v0, v5  }
0x1e: {  	s11 =	simm.s32 $0x1;
	s25 =	simm.s32 $0x10C00;
	[dreg:$0x17] =	wrdreg s1;
	v6 =	vperm.xlane v9, v8;
	v4 =	vadd.s32 v0, v7;
	v5 =	vadd.s32 v0, v10  }
.LBB2_1:
.Ltmp0:
0x1f: {  	(pc) =	sbr.rel @p0 .LBB2_4-.Ltmp0, $1  }
0x20: {  	_ =	sdelay $0x3  }
.Ltmp1:
0x21: {  	(pc) =	sbr.rel @p1 .LBB2_6-.Ltmp1, $1  }
0x22: {  	_ =	sdelay $0x3  }
0x23: {  	s0 =	rddreg [dreg:$0x1]  }
0x24: {  	s30 =	simm.s32 $0x10000;
	s13 =	simm.s32 $0x2000;
	s24 =	simm.s32 $0x200  }
0x25: {  	[tilespmem:s30], [sflag:$0x3] =	stream.strided.gather [hbm4b:s0+s24], $0x0, s13, s24, $0x38;
	[tilespmem:$0x18000] =	vst v63  }
0x26: {  	s1 =	rddreg [dreg:$0x6];
	s2 =	simm.s32 $0x10400  }
0x27: {  	[tilespmem:s2], [sflag:$0x3] =	stream.strided.gather [hbm4b:s1+s24], $0x0, s13, s24, $0x38;
	[tilespmem:$0x18000] =	vst v63  }
0x28: {  	s5 =	simm.s32 $0x10800;
	s2 =	rddreg [dreg:$0x7]  }
0x29: {  	[tilespmem:s5], [sflag:$0x3] =	stream.strided.gather [hbm4b:s2+s24], $0x0, s13, s24, $0x38;
	[tilespmem:$0x18000] =	vst v63  }
0x2a: {  	s5 =	rddreg [dreg:$0x8]  }
0x2b: {  	[tilespmem:s25], [sflag:$0x3] =	stream.strided.gather [hbm4b:s5+s24], $0x0, s13, s24, $0x38;
	[tilespmem:$0x18000] =	vst v63  }
0x2c: {  	s7 =	rddreg [dreg:$0x9];
	s8 =	simm.s32 $0x11000  }
0x2d: {  	[tilespmem:s8], [sflag:$0x3] =	stream.strided.gather [hbm4b:s7+s24], $0x0, s13, s24, $0x38;
	[tilespmem:$0x18000] =	vst v63  }
0x2e: {  	s10 =	simm.s32 $0x11400;
	s8 =	rddreg [dreg:$0xa]  }
0x2f: {  	[tilespmem:s10], [sflag:$0x3] =	stream.strided.gather [hbm4b:s8+s24], $0x0, s13, s24, $0x38;
	[tilespmem:$0x18000] =	vst v63  }
0x30: {  	s14 =	rddreg [dreg:$0xb];
	s9 =	simm.s32 $0x11800  }
0x31: {  	[tilespmem:s9], [sflag:$0x3] =	stream.strided.gather [hbm4b:s14+s24], $0x0, s13, s24, $0x38;
	[tilespmem:$0x18000] =	vst v63  }
0x32: {  	s15 =	rddreg [dreg:$0xc];
	s9 =	simm.s32 $0x11C00  }
0x33: {  	[tilespmem:s9], [sflag:$0x3] =	stream.strided.gather [hbm4b:s15+s24], $0x0, s13, s24, $0x38;
	[tilespmem:$0x18000] =	vst v63  }
0x34: {  	s16 =	rddreg [dreg:$0xd];
	s12 =	simm.s32 $0x12000  }
0x35: {  	[tilespmem:s12], [sflag:$0x3] =	stream.strided.gather [hbm4b:s16+s24], $0x0, s13, s24, $0x38;
	[tilespmem:$0x18000] =	vst v63  }
0x36: {  	s17 =	rddreg [dreg:$0xe];
	s12 =	simm.s32 $0x12400  }
0x37: {  	[tilespmem:s12], [sflag:$0x3] =	stream.strided.gather [hbm4b:s17+s24], $0x0, s13, s24, $0x38;
	[tilespmem:$0x18000] =	vst v63  }
0x38: {  	s18 =	rddreg [dreg:$0xf];
	s19 =	simm.s32 $0x12800  }
0x39: {  	[tilespmem:s19], [sflag:$0x3] =	stream.strided.gather [hbm4b:s18+s24], $0x0, s13, s24, $0x38;
	[tilespmem:$0x18000] =	vst v63  }
0x3a: {  	s19 =	rddreg [dreg:$0x10]  }
0x3b: {  	[tilespmem:s23], [sflag:$0x3] =	stream.strided.gather [hbm4b:s19+s24], $0x0, s13, s24, $0x38;
	[tilespmem:$0x18000] =	vst v63  }
0x3c: {  	s21 =	rddreg [dreg:$0x11];
	s22 =	simm.s32 $0x13000  }
0x3d: {  	[tilespmem:s22], [sflag:$0x3] =	stream.strided.gather [hbm4b:s21+s24], $0x0, s13, s24, $0x38;
	[tilespmem:$0x18000] =	vst v63  }
0x3e: {  	s26 =	simm.s32 $0x13400;
	s22 =	rddreg [dreg:$0x12]  }
0x3f: {  	[tilespmem:s26], [sflag:$0x3] =	stream.strided.gather [hbm4b:s22+s24], $0x0, s13, s24, $0x38;
	[tilespmem:$0x18000] =	vst v63  }
0x40: {  	s28 =	simm.s32 $0x13800;
	s26 =	rddreg [dreg:$0x13]  }
0x41: {  	[tilespmem:s28], [sflag:$0x3] =	stream.strided.gather [hbm4b:s26+s24], $0x0, s13, s24, $0x38;
	[tilespmem:$0x18000] =	vst v63  }
0x42: {  	s31 =	simm.s32 $0x13C00;
	s28 =	rddreg [dreg:$0x14]  }
0x43: {  	[tilespmem:s31], [sflag:$0x3] =	stream.strided.gather [hbm4b:s28+s24], $0x0, s13, s24, $0x38;
	[tilespmem:$0x18000] =	vst v63  }
0x44: {  	_ = 	snop  }
0x45: {  	[tilespmem:s30], [sflag:$0x3] =	stream.linear.gather [hbm4b:s0+s3], $0x180, $0x38;
	[tilespmem:$0x18000] =	vst v63  }
0x46: {  	s0 =	simm.s32 $0x10400  }
0x47: {  	[tilespmem:s0], [sflag:$0x3] =	stream.linear.gather [hbm4b:s1+s3], $0x180, $0x38;
	[tilespmem:$0x18000] =	vst v63  }
0x48: {  	s1 =	simm.s32 $0x10800  }
0x49: {  	[tilespmem:s1], [sflag:$0x3] =	stream.linear.gather [hbm4b:s2+s3], $0x180, $0x38;
	[tilespmem:$0x18000] =	vst v63  }
0x4a: {  	_ = 	snop  }
0x4b: {  	[tilespmem:s25], [sflag:$0x3] =	stream.linear.gather [hbm4b:s5+s3], $0x180, $0x38;
	[tilespmem:$0x18000] =	vst v63  }
0x4c: {  	s5 =	simm.s32 $0x11000  }
0x4d: {  	[tilespmem:s5], [sflag:$0x3] =	stream.linear.gather [hbm4b:s7+s3], $0x180, $0x38;
	[tilespmem:$0x18000] =	vst v63  }
0x4e: {  	_ = 	snop  }
0x4f: {  	[tilespmem:s10], [sflag:$0x3] =	stream.linear.gather [hbm4b:s8+s3], $0x180, $0x38;
	[tilespmem:$0x18000] =	vst v63  }
0x50: {  	s8 =	simm.s32 $0x11800  }
0x51: {  	[tilespmem:s8], [sflag:$0x3] =	stream.linear.gather [hbm4b:s14+s3], $0x180, $0x38;
	[tilespmem:$0x18000] =	vst v63  }
0x52: {  	_ = 	snop  }
0x53: {  	[tilespmem:s9], [sflag:$0x3] =	stream.linear.gather [hbm4b:s15+s3], $0x180, $0x38;
	[tilespmem:$0x18000] =	vst v63  }
0x54: {  	s31 =	simm.s32 $0x12000  }
0x55: {  	[tilespmem:s31], [sflag:$0x3] =	stream.linear.gather [hbm4b:s16+s3], $0x180, $0x38;
	[tilespmem:$0x18000] =	vst v63  }
0x56: {  	_ = 	snop  }
0x57: {  	[tilespmem:s12], [sflag:$0x3] =	stream.linear.gather [hbm4b:s17+s3], $0x180, $0x38;
	[tilespmem:$0x18000] =	vst v63  }
0x58: {  	s14 =	simm.s32 $0x12800  }
0x59: {  	[tilespmem:s14], [sflag:$0x3] =	stream.linear.gather [hbm4b:s18+s3], $0x180, $0x38;
	[tilespmem:$0x18000] =	vst v63  }
0x5a: {  	_ = 	snop  }
0x5b: {  	[tilespmem:s23], [sflag:$0x3] =	stream.linear.gather [hbm4b:s19+s3], $0x180, $0x38;
	[tilespmem:$0x18000] =	vst v63  }
0x5c: {  	s15 =	simm.s32 $0x13000  }
0x5d: {  	[tilespmem:s15], [sflag:$0x3] =	stream.linear.gather [hbm4b:s21+s3], $0x180, $0x38;
	[tilespmem:$0x18000] =	vst v63  }
0x5e: {  	s19 =	simm.s32 $0x13400  }
0x5f: {  	[tilespmem:s19], [sflag:$0x3] =	stream.linear.gather [hbm4b:s22+s3], $0x180, $0x38;
	[tilespmem:$0x18000] =	vst v63  }
0x60: {  	s16 =	simm.s32 $0x13800  }
0x61: {  	[tilespmem:s16], [sflag:$0x3] =	stream.linear.gather [hbm4b:s26+s3], $0x180, $0x38;
	[tilespmem:$0x18000] =	vst v63  }
0x62: {  	s24 =	simm.s32 $0x13C00;
	s7 =	simm.s32 $0x3  }
0x63: {  	[tilespmem:s24], [sflag:$0x3] =	stream.linear.gather [hbm4b:s28+s3], $0x180, $0x38;
	[tilespmem:$0x18000] =	vst v63  }
0x64: {  	_ =	swait.ge [sflag:s7], $0x1800  }
0x65: {  	[sflag:s7] =	ssyncset.done $0x0  }
0x66: {  	[sflag:s7] =	ssyncadd.s32 $0xFFFFE800  }
0x67: {  	[hbm4b:s6+s3] =	stream.linear.scatter [tilespmem:s30], [sflag:$0x3], $0x180, $0x38;
	[tilespmem:$0x18000] =	vst v63  }
0x68: {  	s21 =	sadd.s32 $0x80, s6  }
0x69: {  	[hbm4b:s21+s3] =	stream.linear.scatter [tilespmem:s0], [sflag:$0x3], $0x180, $0x38;
	[tilespmem:$0x18000] =	vst v63  }
0x6a: {  	s0 =	sadd.s32 $0x100, s6  }
0x6b: {  	[hbm4b:s0+s3] =	stream.linear.scatter [tilespmem:s1], [sflag:$0x3], $0x180, $0x38;
	[tilespmem:$0x18000] =	vst v63  }
0x6c: {  	s22 =	sadd.s32 $0x180, s6  }
0x6d: {  	[hbm4b:s22+s3] =	stream.linear.scatter [tilespmem:s25], [sflag:$0x3], $0x180, $0x38;
	[tilespmem:$0x18000] =	vst v63  }
0x6e: {  	s1 =	sadd.s32 $0x200, s6  }
0x6f: {  	[hbm4b:s1+s3] =	stream.linear.scatter [tilespmem:s5], [sflag:$0x3], $0x180, $0x38;
	[tilespmem:$0x18000] =	vst v63  }
0x70: {  	s26 =	sadd.s32 $0x280, s6  }
0x71: {  	[hbm4b:s26+s3] =	stream.linear.scatter [tilespmem:s10], [sflag:$0x3], $0x180, $0x38;
	[tilespmem:$0x18000] =	vst v63  }
0x72: {  	s2 =	sadd.s32 $0x300, s6  }
0x73: {  	[hbm4b:s2+s3] =	stream.linear.scatter [tilespmem:s8], [sflag:$0x3], $0x180, $0x38;
	[tilespmem:$0x18000] =	vst v63  }
0x74: {  	s28 =	sadd.s32 $0x380, s6  }
0x75: {  	[hbm4b:s28+s3] =	stream.linear.scatter [tilespmem:s9], [sflag:$0x3], $0x180, $0x38;
	[tilespmem:$0x18000] =	vst v63  }
0x76: {  	s5 =	sadd.s32 $0x400, s6  }
0x77: {  	[hbm4b:s5+s3] =	stream.linear.scatter [tilespmem:s31], [sflag:$0x3], $0x180, $0x38;
	[tilespmem:$0x18000] =	vst v63  }
0x78: {  	s31 =	sadd.s32 $0x480, s6  }
0x79: {  	[hbm4b:s31+s3] =	stream.linear.scatter [tilespmem:s12], [sflag:$0x3], $0x180, $0x38;
	[tilespmem:$0x18000] =	vst v63  }
0x7a: {  	s8 =	sadd.s32 $0x500, s6  }
0x7b: {  	[hbm4b:s8+s3] =	stream.linear.scatter [tilespmem:s14], [sflag:$0x3], $0x180, $0x38;
	[tilespmem:$0x18000] =	vst v63  }
0x7c: {  	s21 =	sadd.s32 $0x580, s6  }
0x7d: {  	[hbm4b:s21+s3] =	stream.linear.scatter [tilespmem:s23], [sflag:$0x3], $0x180, $0x38;
	[tilespmem:$0x18000] =	vst v63  }
0x7e: {  	s14 =	sadd.s32 $0x600, s6  }
0x7f: {  	[hbm4b:s14+s3] =	stream.linear.scatter [tilespmem:s15], [sflag:$0x3], $0x180, $0x38;
	[tilespmem:$0x18000] =	vst v63  }
0x80: {  	s26 =	sadd.s32 $0x680, s6  }
0x81: {  	[hbm4b:s26+s3] =	stream.linear.scatter [tilespmem:s19], [sflag:$0x3], $0x180, $0x38;
	[tilespmem:$0x18000] =	vst v63  }
0x82: {  	s15 =	sadd.s32 $0x700, s6  }
0x83: {  	[hbm4b:s15+s3] =	stream.linear.scatter [tilespmem:s16], [sflag:$0x3], $0x180, $0x38;
	[tilespmem:$0x18000] =	vst v63  }
0x84: {  	s31 =	sadd.s32 $0x780, s6  }
0x85: {  	[hbm4b:s31+s3] =	stream.linear.scatter [tilespmem:s24], [sflag:$0x3], $0x180, $0x38;
	[tilespmem:$0x18000] =	vst v63  }
0x86: {  	_ =	swait.ge [sflag:s7], $0x1800  }
0x87: {  	[sflag:s7] =	ssyncset.done $0x0  }
0x88: {  	[sflag:s7] =	ssyncadd.s32 $0xFFFFE800  }
0x89: {  	[tilespmem:s30], [sflag:$0x3] =	stream.linear.gather [hbm4b:s4+s3], $0x8000, $0x38;
	[tilespmem:$0x18000] =	vst v63  }
0x8a: {  	_ =	swait.ge [sflag:s7], $0x8000  }
0x8b: {  	[sflag:s7] =	ssyncset.done $0x0  }
0x8c: {  	[sflag:s7] =	ssyncadd.s32 $0xFFFF8000  }
0x8d: {  	[hbm4b:s6+s3] =	stream.indirect_vreg.scatter [tilespmem:s30], [sflag:$0x2], $0x80, v5, vm0, $0xb8;
	[tilespmem:$0x18000] =	vst v63  }
0x8e: {  	s13 =	simm.s32 $0x10800  }
0x8f: {  	[hbm4b:s0+s3] =	stream.indirect_vreg.scatter [tilespmem:s13], [sflag:$0x2], $0x80, v5, vm0, $0xb8;
	[tilespmem:$0x18000] =	vst v63  }
0x90: {  	s17 =	simm.s32 $0x11000  }
0x91: {  	[hbm4b:s1+s3] =	stream.indirect_vreg.scatter [tilespmem:s17], [sflag:$0x2], $0x80, v5, vm0, $0xb8;
	[tilespmem:$0x18000] =	vst v63  }
0x92: {  	s10 =	simm.s32 $0x11800  }
0x93: {  	[hbm4b:s2+s3] =	stream.indirect_vreg.scatter [tilespmem:s10], [sflag:$0x2], $0x80, v5, vm0, $0xb8;
	[tilespmem:$0x18000] =	vst v63  }
0x94: {  	s9 =	simm.s32 $0x12000  }
0x95: {  	[hbm4b:s5+s3] =	stream.indirect_vreg.scatter [tilespmem:s9], [sflag:$0x2], $0x80, v5, vm0, $0xb8;
	[tilespmem:$0x18000] =	vst v63  }
0x96: {  	s18 =	simm.s32 $0x12800  }
0x97: {  	[hbm4b:s8+s3] =	stream.indirect_vreg.scatter [tilespmem:s18], [sflag:$0x2], $0x80, v5, vm0, $0xb8;
	[tilespmem:$0x18000] =	vst v63  }
.Ltmp2:
0x98: {  	_ = 	snop;
	(pc) =	sbr.rel .LBB2_5-.Ltmp2, $4  }
0x99: {  	s22 =	simm.s32 $0x13000;
	s28 =	simm.s32 $0x13800;
	s24 =	simm.s32 $0x14800  }
0x9a: {  	[hbm4b:s14+s3] =	stream.indirect_vreg.scatter [tilespmem:s22], [sflag:$0x2], $0x80, v5, vm0, $0xb8;
	[tilespmem:$0x18000] =	vst v63  }
0x9b: {  	s13 =	simm.s32 $0x15000;
	s10 =	simm.s32 $0x13800;
	s9 =	simm.s32 $0x14000  }
0x9c: {  	v7 =	vmov v6;
	[hbm4b:s15+s3] =	stream.indirect_vreg.scatter [tilespmem:s28], [sflag:$0x2], $0x80, v5, vm0, $0xb8;
	[tilespmem:$0x18000] =	vst v63  }
.LBB2_4:
0x9d: {  	s0 =	rddreg [dreg:$0x4];
	s1 =	simm.s32 $0x10000;
	s26 =	simm.s32 $0x3  }
0x9e: {  	[tilespmem:s1], [sflag:$0x3] =	stream.linear.gather [hbm4b:s0+s3], $0x8000, $0x38;
	[tilespmem:$0x18000] =	vst v63  }
0x9f: {  	_ =	swait.ge [sflag:s26], $0x8000  }
0xa0: {  	[sflag:s26] =	ssyncset.done $0x0  }
0xa1: {  	[sflag:s26] =	ssyncadd.s32 $0xFFFF8000  }
0xa2: {  	[hbm4b:s6+s3] =	stream.indirect_vreg.scatter [tilespmem:s1], [sflag:$0x2], $0x80, v1, vm0, $0xb8;
	[tilespmem:$0x18000] =	vst v63  }
0xa3: {  	s28 =	simm.s32 $0x10800;
	s0 =	sadd.s32 $0x100, s6  }
0xa4: {  	[hbm4b:s0+s3] =	stream.indirect_vreg.scatter [tilespmem:s28], [sflag:$0x2], $0x80, v1, vm0, $0xb8;
	[tilespmem:$0x18000] =	vst v63  }
0xa5: {  	s2 =	simm.s32 $0x11000;
	s1 =	sadd.s32 $0x200, s6  }
0xa6: {  	[hbm4b:s1+s3] =	stream.indirect_vreg.scatter [tilespmem:s2], [sflag:$0x2], $0x80, v1, vm0, $0xb8;
	[tilespmem:$0x18000] =	vst v63  }
0xa7: {  	s5 =	simm.s32 $0x11800;
	s2 =	sadd.s32 $0x300, s6  }
0xa8: {  	[hbm4b:s2+s3] =	stream.indirect_vreg.scatter [tilespmem:s5], [sflag:$0x2], $0x80, v1, vm0, $0xb8;
	[tilespmem:$0x18000] =	vst v63  }
0xa9: {  	s7 =	simm.s32 $0x12000;
	s5 =	sadd.s32 $0x400, s6  }
0xaa: {  	[hbm4b:s5+s3] =	stream.indirect_vreg.scatter [tilespmem:s7], [sflag:$0x2], $0x80, v1, vm0, $0xb8;
	[tilespmem:$0x18000] =	vst v63  }
0xab: {  	s8 =	sadd.s32 $0x500, s6;
	s30 =	simm.s32 $0x12800  }
0xac: {  	[hbm4b:s8+s3] =	stream.indirect_vreg.scatter [tilespmem:s30], [sflag:$0x2], $0x80, v1, vm0, $0xb8;
	[tilespmem:$0x18000] =	vst v63  }
0xad: {  	s14 =	sadd.s32 $0x600, s6;
	s31 =	simm.s32 $0x13000  }
0xae: {  	[hbm4b:s14+s3] =	stream.indirect_vreg.scatter [tilespmem:s31], [sflag:$0x2], $0x80, v1, vm0, $0xb8;
	[tilespmem:$0x18000] =	vst v63  }
0xaf: {  	s15 =	sadd.s32 $0x700, s6  }
0xb0: {  	v7 =	vmov v2;
	[hbm4b:s15+s3] =	stream.indirect_vreg.scatter [tilespmem:s10], [sflag:$0x2], $0x80, v1, vm0, $0xb8;
	[tilespmem:$0x18000] =	vst v63  }
.LBB2_5:
0xb1: {  	v7 =	vadd.s32 v0, v7;
	_ =	sdelay $0x4  }
0xb2: {  	[hbm4b:s6+s3] =	stream.indirect_vreg.scatter [tilespmem:s9], [sflag:$0x2], $0x80, v7, vm0, $0xb8;
	[tilespmem:$0x18000] =	vst v63  }
0xb3: {  	_ = 	snop  }
0xb4: {  	[hbm4b:s0+s3] =	stream.indirect_vreg.scatter [tilespmem:s24], [sflag:$0x2], $0x80, v7, vm0, $0xb8;
	[tilespmem:$0x18000] =	vst v63  }
0xb5: {  	_ = 	snop  }
0xb6: {  	[hbm4b:s1+s3] =	stream.indirect_vreg.scatter [tilespmem:s13], [sflag:$0x2], $0x80, v7, vm0, $0xb8;
	[tilespmem:$0x18000] =	vst v63  }
0xb7: {  	s21 =	simm.s32 $0x15800  }
0xb8: {  	[hbm4b:s2+s3] =	stream.indirect_vreg.scatter [tilespmem:s21], [sflag:$0x2], $0x80, v7, vm0, $0xb8;
	[tilespmem:$0x18000] =	vst v63  }
0xb9: {  	s22 =	simm.s32 $0x16000  }
0xba: {  	[hbm4b:s5+s3] =	stream.indirect_vreg.scatter [tilespmem:s22], [sflag:$0x2], $0x80, v7, vm0, $0xb8;
	[tilespmem:$0x18000] =	vst v63  }
0xbb: {  	s26 =	simm.s32 $0x16800  }
0xbc: {  	[hbm4b:s8+s3] =	stream.indirect_vreg.scatter [tilespmem:s26], [sflag:$0x2], $0x80, v7, vm0, $0xb8;
	[tilespmem:$0x18000] =	vst v63  }
0xbd: {  	s28 =	simm.s32 $0x17000  }
0xbe: {  	[hbm4b:s14+s3] =	stream.indirect_vreg.scatter [tilespmem:s28], [sflag:$0x2], $0x80, v7, vm0, $0xb8;
	[tilespmem:$0x18000] =	vst v63  }
0xbf: {  	s30 =	simm.s32 $0x17800;
	s31 =	simm.s32 $0x2  }
0xc0: {  	[hbm4b:s15+s3] =	stream.indirect_vreg.scatter [tilespmem:s30], [sflag:$0x2], $0x80, v7, vm0, $0xb8;
	[tilespmem:$0x18000] =	vst v63  }
0xc1: {  	_ =	swait.ge [sflag:s31], $0x8000  }
0xc2: {  	[sflag:s31] =	ssyncset.done $0x0  }
0xc3: {  	[sflag:s31] =	ssyncadd.s32 $0xFFFF8000  }
.LBB2_6:
0xc4: {  	_ =	sdelay $0x2  }
0xc5: {  	s0 =	simm.s32 $0x0  }
0xc6: {  	[tilespmem:s0], [sflag:$0x1] =	stream.indirect_vreg.gather [hbm4b:s4+s0], $0x80, v3, vm0, $0xb8;
	[tilespmem:$0x18000] =	vst v63  }
0xc7: {  	s14 =	sadd.s32 $0x100, s4;
	s1 =	simm.s32 $0x800  }
0xc8: {  	[tilespmem:s1], [sflag:$0x1] =	stream.indirect_vreg.gather [hbm4b:s14+s0], $0x80, v3, vm0, $0xb8;
	[tilespmem:$0x18000] =	vst v63  }
0xc9: {  	s15 =	sadd.s32 $0x200, s4;
	s16 =	simm.s32 $0x1000  }
0xca: {  	[tilespmem:s16], [sflag:$0x1] =	stream.indirect_vreg.gather [hbm4b:s15+s0], $0x80, v3, vm0, $0xb8;
	[tilespmem:$0x18000] =	vst v63  }
0xcb: {  	s17 =	simm.s32 $0x1800;
	s16 =	sadd.s32 $0x300, s4  }
0xcc: {  	[tilespmem:s17], [sflag:$0x1] =	stream.indirect_vreg.gather [hbm4b:s16+s0], $0x80, v3, vm0, $0xb8;
	[tilespmem:$0x18000] =	vst v63  }
0xcd: {  	s18 =	simm.s32 $0x2000;
	s17 =	sadd.s32 $0x400, s4  }
0xce: {  	[tilespmem:s18], [sflag:$0x1] =	stream.indirect_vreg.gather [hbm4b:s17+s0], $0x80, v3, vm0, $0xb8;
	[tilespmem:$0x18000] =	vst v63  }
0xcf: {  	s19 =	simm.s32 $0x2800;
	s18 =	sadd.s32 $0x500, s4  }
0xd0: {  	[tilespmem:s19], [sflag:$0x1] =	stream.indirect_vreg.gather [hbm4b:s18+s0], $0x80, v3, vm0, $0xb8;
	[tilespmem:$0x18000] =	vst v63  }
0xd1: {  	s21 =	simm.s32 $0x3000;
	s19 =	sadd.s32 $0x600, s4  }
0xd2: {  	[tilespmem:s21], [sflag:$0x1] =	stream.indirect_vreg.gather [hbm4b:s19+s0], $0x80, v3, vm0, $0xb8;
	[tilespmem:$0x18000] =	vst v63  }
0xd3: {  	s22 =	simm.s32 $0x3800;
	s21 =	sadd.s32 $0x700, s4  }
0xd4: {  	[tilespmem:s22], [sflag:$0x1] =	stream.indirect_vreg.gather [hbm4b:s21+s0], $0x80, v3, vm0, $0xb8;
	[tilespmem:$0x18000] =	vst v63  }
0xd5: {  	s26 =	simm.s32 $0x4000  }
0xd6: {  	[tilespmem:s26], [sflag:$0x1] =	stream.indirect_vreg.gather [hbm4b:s4+s0], $0x80, v4, vm0, $0xb8;
	[tilespmem:$0x18000] =	vst v63  }
0xd7: {  	s28 =	simm.s32 $0x4800  }
0xd8: {  	[tilespmem:s28], [sflag:$0x1] =	stream.indirect_vreg.gather [hbm4b:s14+s0], $0x80, v4, vm0, $0xb8;
	[tilespmem:$0x18000] =	vst v63  }
0xd9: {  	s2 =	simm.s32 $0x5000  }
0xda: {  	[tilespmem:s2], [sflag:$0x1] =	stream.indirect_vreg.gather [hbm4b:s15+s0], $0x80, v4, vm0, $0xb8;
	[tilespmem:$0x18000] =	vst v63  }
0xdb: {  	s5 =	simm.s32 $0x5800  }
0xdc: {  	[tilespmem:s5], [sflag:$0x1] =	stream.indirect_vreg.gather [hbm4b:s16+s0], $0x80, v4, vm0, $0xb8;
	[tilespmem:$0x18000] =	vst v63  }
0xdd: {  	s7 =	simm.s32 $0x6000  }
0xde: {  	[tilespmem:s7], [sflag:$0x1] =	stream.indirect_vreg.gather [hbm4b:s17+s0], $0x80, v4, vm0, $0xb8;
	[tilespmem:$0x18000] =	vst v63  }
0xdf: {  	s8 =	simm.s32 $0x6800  }
0xe0: {  	[tilespmem:s8], [sflag:$0x1] =	stream.indirect_vreg.gather [hbm4b:s18+s0], $0x80, v4, vm0, $0xb8;
	[tilespmem:$0x18000] =	vst v63  }
0xe1: {  	s8 =	rddreg [dreg:$0x16]  }
0xe2: {  	s12 =	sadd.s32 $0xFFFFFFF8, s8  }
0xe3: {  	p2 =	sgt.u32 s12, $0xFE  }
0xe4: {  	s1 =	sadd.s32 @!p2 $0x0, s20  }
0xe5: {  	v7 =	vlaneseq.u32 @!p2;
	s1 =	sadd.s32 @!p2 $0x85, s1  }
0xe6: {  	s22 =	simm.s32 $0x7000;
	v8 =	vadd.s32 @!p2 s1, v7  }
0xe7: {  	[tilespmem:s22], [sflag:$0x1] =	stream.indirect_vreg.gather [hbm4b:s19+s0], $0x80, v4, vm0, $0xb8;
	v9 =	vshll.u32 @!p2 v8, $0x4;
	[tilespmem:$0x18000] =	vst v63  }
0xe8: {  	s26 =	simm.s32 $0x7800;
	v8 =	vand.u32 @!p2 $0x7, v8;
	v9 =	vand.u32 @!p2 $0x7FFFFF80, v9  }
0xe9: {  	[tilespmem:s26], [sflag:$0x1] =	stream.indirect_vreg.gather [hbm4b:s21+s0], $0x80, v4, vm0, $0xb8;
	v10 =	vand.u32 @!p2 $0x7, v7;
	v11 =	vshrl.u32 @!p2 v7, $0x3;
	v8 =	vor.u32 @!p2 v8, v9;
	[tilespmem:$0x18000] =	vst v63  }
0xea: {  	_ =	swait.ge [sflag:s11], $0x8000;
	v9 =	vmul.u32 @!p2 $0x8, v11;
	v10 =	vperm.xlane @!p2 v8, v10  }
0xeb: {  	p3 =	por $0x1, $0x1;
	[sflag:s11] =	ssyncset.done $0x0  }
0xec: {  	s0 =	simm.s32 @!p3 $0x2;
	s7 =	rddreg [dreg:$0x17];
	[sflag:s11] =	ssyncadd.s32 $0xFFFF8000;
	v10 =	vadd.s32 @!p2 v9, v10  }
0xed: {  	[hbm4b:s7+s3] =	stream.linear.scatter [tilespmem:s3], [sflag:$0x2], $0x8000, $0x38;
	[tilespmem:$0x18000] =	vst v63  }
0xee: {  	_ =	swait.ge @!p3 [sflag:s0], $0x8000  }
0xef: {  	[sflag:s0] =	ssyncset.done @!p3 $0x0  }
0xf0: {  	vm1 =	vmmov @!p2 $0xffff;
	s2 =	simm.s32 @!p2 $0x8000;
	s1 =	simm.s32 @!p2 $0x0;
	[sflag:s0] =	ssyncadd.s32 @!p3 $0xFFFF8000  }
0xf1: {  	[tilespmem:s2], [sflag:$0x1] =	stream.indirect_vreg.gather @!p2 [hbm4b:s4+s1], $0x80, v10, vm1, $0xb8;
	[tilespmem:$0x18000] =	vst v63  }
0xf2: {  	s0 =	simm.s32 @!p2 $0x8800  }
0xf3: {  	[tilespmem:s0], [sflag:$0x1] =	stream.indirect_vreg.gather @!p2 [hbm4b:s14+s1], $0x80, v10, vm1, $0xb8;
	[tilespmem:$0x18000] =	vst v63  }
0xf4: {  	s0 =	simm.s32 @!p2 $0x9000  }
0xf5: {  	[tilespmem:s0], [sflag:$0x1] =	stream.indirect_vreg.gather @!p2 [hbm4b:s15+s1], $0x80, v10, vm1, $0xb8;
	[tilespmem:$0x18000] =	vst v63  }
0xf6: {  	s0 =	simm.s32 @!p2 $0x9800  }
0xf7: {  	[tilespmem:s0], [sflag:$0x1] =	stream.indirect_vreg.gather @!p2 [hbm4b:s16+s1], $0x80, v10, vm1, $0xb8;
	[tilespmem:$0x18000] =	vst v63  }
0xf8: {  	s0 =	simm.s32 @!p2 $0xA000  }
0xf9: {  	v7 =	vor.u32 @!p2 $0x8, v7;
	[tilespmem:s0], [sflag:$0x1] =	stream.indirect_vreg.gather @!p2 [hbm4b:s17+s1], $0x80, v10, vm1, $0xb8;
	[tilespmem:$0x18000] =	vst v63  }
0xfa: {  	v7 =	vperm.xlane @!p2 v8, v7;
	s0 =	simm.s32 @!p2 $0xA800  }
0xfb: {  	[tilespmem:s0], [sflag:$0x1] =	stream.indirect_vreg.gather @!p2 [hbm4b:s18+s1], $0x80, v10, vm1, $0xb8;
	[tilespmem:$0x18000] =	vst v63  }
0xfc: {  	v7 =	vadd.s32 @!p2 v9, v7;
	s0 =	simm.s32 @!p2 $0xB000  }
0xfd: {  	[tilespmem:s0], [sflag:$0x1] =	stream.indirect_vreg.gather @!p2 [hbm4b:s19+s1], $0x80, v10, vm1, $0xb8;
	[tilespmem:$0x18000] =	vst v63  }
0xfe: {  	s0 =	simm.s32 @!p2 $0xB800  }
0xff: {  	[tilespmem:s0], [sflag:$0x1] =	stream.indirect_vreg.gather @!p2 [hbm4b:s21+s1], $0x80, v10, vm1, $0xb8;
	[tilespmem:$0x18000] =	vst v63  }
0x100: {  	s0 =	simm.s32 @!p2 $0xC000  }
0x101: {  	[tilespmem:s0], [sflag:$0x1] =	stream.indirect_vreg.gather @!p2 [hbm4b:s4+s1], $0x80, v7, vm1, $0xb8;
	[tilespmem:$0x18000] =	vst v63  }
0x102: {  	s0 =	simm.s32 @!p2 $0xC800  }
0x103: {  	[tilespmem:s0], [sflag:$0x1] =	stream.indirect_vreg.gather @!p2 [hbm4b:s14+s1], $0x80, v7, vm1, $0xb8;
	[tilespmem:$0x18000] =	vst v63  }
0x104: {  	s0 =	simm.s32 @!p2 $0xD000  }
0x105: {  	[tilespmem:s0], [sflag:$0x1] =	stream.indirect_vreg.gather @!p2 [hbm4b:s15+s1], $0x80, v7, vm1, $0xb8;
	[tilespmem:$0x18000] =	vst v63  }
0x106: {  	p3 =	sgt.u32 s8, $0xFE;
	s0 =	simm.s32 @!p2 $0xD800  }
0x107: {  	[tilespmem:s0], [sflag:$0x1] =	stream.indirect_vreg.gather @!p2 [hbm4b:s16+s1], $0x80, v7, vm1, $0xb8;
	[tilespmem:$0x18000] =	vst v63  }
0x108: {  	s5 =	sadd.s32 @!p3 $0x0, s20;
	s0 =	simm.s32 @!p2 $0xE000  }
0x109: {  	[tilespmem:s0], [sflag:$0x1] =	stream.indirect_vreg.gather @!p2 [hbm4b:s17+s1], $0x80, v7, vm1, $0xb8;
	[tilespmem:$0x18000] =	vst v63  }
0x10a: {  	s5 =	sadd.s32 @!p3 $0x105, s5;
	s0 =	simm.s32 @!p2 $0xE800  }
0x10b: {  	v8 =	vlaneseq.u32 @!p3;
	[tilespmem:s0], [sflag:$0x1] =	stream.indirect_vreg.gather @!p2 [hbm4b:s18+s1], $0x80, v7, vm1, $0xb8;
	[tilespmem:$0x18000] =	vst v63  }
0x10c: {  	v9 =	vadd.s32 @!p3 s5, v8;
	s0 =	simm.s32 @!p2 $0xF000  }
0x10d: {  	v10 =	vshll.u32 @!p3 v9, $0x4;
	[tilespmem:s0], [sflag:$0x1] =	stream.indirect_vreg.gather @!p2 [hbm4b:s19+s1], $0x80, v7, vm1, $0xb8;
	[tilespmem:$0x18000] =	vst v63  }
0x10e: {  	s5 =	simm.s32 @!p2 $0x1;
	v9 =	vand.u32 @!p3 $0x7, v9;
	v10 =	vand.u32 @!p3 $0x7FFFFF80, v10;
	s0 =	simm.s32 @!p2 $0xF800  }
0x10f: {  	v11 =	vand.u32 @!p3 $0x7, v8;
	v12 =	vshrl.u32 @!p3 v8, $0x3;
	v9 =	vor.u32 @!p3 v9, v10;
	[tilespmem:s0], [sflag:$0x1] =	stream.indirect_vreg.gather @!p2 [hbm4b:s21+s1], $0x80, v7, vm1, $0xb8;
	[tilespmem:$0x18000] =	vst v63  }
0x110: {  	v10 =	vperm.xlane @!p3 v9, v11;
	v7 =	vmul.u32 @!p3 $0x8, v12;
	_ =	swait.ge @!p2 [sflag:s5], $0x8000  }
0x111: {  	[sflag:s5] =	ssyncset.done @!p2 $0x0  }
0x112: {  	s0 =	simm.s32 @!p2 $0x2;
	v10 =	vadd.s32 @!p3 v7, v10;
	s22 =	rddreg [dreg:$0x15];
	[sflag:s5] =	ssyncadd.s32 @!p2 $0xFFFF8000  }
0x113: {  	[hbm4b:s22+s1] =	stream.linear.scatter @!p2 [tilespmem:s2], [sflag:$0x2], $0x8000, $0x38;
	[tilespmem:$0x18000] =	vst v63  }
0x114: {  	_ =	swait.ge @!p2 [sflag:s0], $0x8000  }
0x115: {  	[sflag:s0] =	ssyncset.done @!p2 $0x0  }
0x116: {  	vm1 =	vmmov @!p3 $0xffff;
	s2 =	simm.s32 @!p3 $0x0;
	[sflag:s0] =	ssyncadd.s32 @!p2 $0xFFFF8000  }
0x117: {  	[tilespmem:s2], [sflag:$0x1] =	stream.indirect_vreg.gather @!p3 [hbm4b:s4+s2], $0x80, v10, vm1, $0xb8;
	[tilespmem:$0x18000] =	vst v63  }
0x118: {  	s0 =	simm.s32 @!p3 $0x800  }
0x119: {  	[tilespmem:s0], [sflag:$0x1] =	stream.indirect_vreg.gather @!p3 [hbm4b:s14+s2], $0x80, v10, vm1, $0xb8;
	[tilespmem:$0x18000] =	vst v63  }
0x11a: {  	s0 =	simm.s32 @!p3 $0x1000  }
0x11b: {  	[tilespmem:s0], [sflag:$0x1] =	stream.indirect_vreg.gather @!p3 [hbm4b:s15+s2], $0x80, v10, vm1, $0xb8;
	[tilespmem:$0x18000] =	vst v63  }
0x11c: {  	s0 =	simm.s32 @!p3 $0x1800  }
0x11d: {  	[tilespmem:s0], [sflag:$0x1] =	stream.indirect_vreg.gather @!p3 [hbm4b:s16+s2], $0x80, v10, vm1, $0xb8;
	[tilespmem:$0x18000] =	vst v63  }
0x11e: {  	s0 =	simm.s32 @!p3 $0x2000  }
0x11f: {  	v8 =	vor.u32 @!p3 $0x8, v8;
	[tilespmem:s0], [sflag:$0x1] =	stream.indirect_vreg.gather @!p3 [hbm4b:s17+s2], $0x80, v10, vm1, $0xb8;
	[tilespmem:$0x18000] =	vst v63  }
0x120: {  	v8 =	vperm.xlane @!p3 v9, v8;
	s0 =	simm.s32 @!p3 $0x2800  }
0x121: {  	[tilespmem:s0], [sflag:$0x1] =	stream.indirect_vreg.gather @!p3 [hbm4b:s18+s2], $0x80, v10, vm1, $0xb8;
	[tilespmem:$0x18000] =	vst v63  }
0x122: {  	v8 =	vadd.s32 @!p3 v7, v8;
	s0 =	simm.s32 @!p3 $0x3000  }
0x123: {  	[tilespmem:s0], [sflag:$0x1] =	stream.indirect_vreg.gather @!p3 [hbm4b:s19+s2], $0x80, v10, vm1, $0xb8;
	[tilespmem:$0x18000] =	vst v63  }
0x124: {  	s0 =	simm.s32 @!p3 $0x3800  }
0x125: {  	[tilespmem:s0], [sflag:$0x1] =	stream.indirect_vreg.gather @!p3 [hbm4b:s21+s2], $0x80, v10, vm1, $0xb8;
	[tilespmem:$0x18000] =	vst v63  }
0x126: {  	s0 =	simm.s32 @!p3 $0x4000  }
0x127: {  	[tilespmem:s0], [sflag:$0x1] =	stream.indirect_vreg.gather @!p3 [hbm4b:s4+s2], $0x80, v8, vm1, $0xb8;
	[tilespmem:$0x18000] =	vst v63  }
0x128: {  	s26 =	sadd.s32 $0x10, s8;
	s0 =	simm.s32 @!p3 $0x4800  }
0x129: {  	[tilespmem:s0], [sflag:$0x1] =	stream.indirect_vreg.gather @!p3 [hbm4b:s14+s2], $0x80, v8, vm1, $0xb8;
	[tilespmem:$0x18000] =	vst v63  }
0x12a: {  	s28 =	sadd.s32 $0xFFFFFFF8, s26;
	s0 =	simm.s32 @!p3 $0x5000  }
0x12b: {  	[tilespmem:s0], [sflag:$0x1] =	stream.indirect_vreg.gather @!p3 [hbm4b:s15+s2], $0x80, v8, vm1, $0xb8;
	[tilespmem:$0x18000] =	vst v63  }
0x12c: {  	s1 =	simm.s32 @!p3 $0x5800;
	p2 =	sgt.u32 s28, $0xFE  }
0x12d: {  	[tilespmem:s1], [sflag:$0x1] =	stream.indirect_vreg.gather @!p3 [hbm4b:s16+s2], $0x80, v8, vm1, $0xb8;
	[tilespmem:$0x18000] =	vst v63  }
0x12e: {  	s30 =	simm.s32 $0x100;
	s31 =	sadd.s32 $0x10000, s7;
	v11 =	vlaneseq.u32 @!p2;
	s0 =	simm.s32 @!p3 $0x6000  }
0x12f: {  	v7 =	vshrl.u32 @!p2 v11, $0x3;
	[tilespmem:s0], [sflag:$0x1] =	stream.indirect_vreg.gather @!p3 [hbm4b:s17+s2], $0x80, v8, vm1, $0xb8;
	[tilespmem:$0x18000] =	vst v63  }
0x130: {  	s5 =	simm.s32 @!p3 $0x6800;
	v9 =	vor.u32 @!p2 $0x8, v11;
	v7 =	vmul.u32 @!p2 $0x8, v7;
	v10 =	vand.u32 @!p2 $0x7, v11;
	s1 =	sadd.s32 @!p2 $0x100, s20;
	s0 =	simm.s32 $0x200  }
.LBB2_7:
0x131: {  	s1 =	sadd.s32 @!p2 $0x85, s1  }
0x132: {  	s22 =	sadd.s32 $0x10000, s22;
	s8 =	smov.u32 s0;
	s0 =	sadd.s32 $0x100, s0  }
0x133: {  	v11 =	vadd.s32 @!p2 s1, v11;
	[tilespmem:s5], [sflag:$0x1] =	stream.indirect_vreg.gather @!p3 [hbm4b:s18+s2], $0x80, v8, vm1, $0xb8;
	[tilespmem:$0x18000] =	vst v63  }
0x134: {  	p4 =	sne.s32 s0, $0x1000;
	s1 =	simm.s32 @!p3 $0x7000;
	v12 =	vand.u32 @!p2 $0x7, v11;
	v11 =	vshll.u32 @!p2 v11, $0x4  }
0x135: {  	v11 =	vand.u32 @!p2 $0x7FFFFF80, v11;
	[tilespmem:s1], [sflag:$0x1] =	stream.indirect_vreg.gather @!p3 [hbm4b:s19+s2], $0x80, v8, vm1, $0xb8;
	[tilespmem:$0x18000] =	vst v63  }
0x136: {  	s1 =	simm.s32 @!p3 $0x7800;
	v11 =	vor.u32 @!p2 v12, v11  }
0x137: {  	v10 =	vperm.xlane @!p2 v11, v10;
	v9 =	vperm.xlane @!p2 v11, v9;
	[tilespmem:s1], [sflag:$0x1] =	stream.indirect_vreg.gather @!p3 [hbm4b:s21+s2], $0x80, v8, vm1, $0xb8;
	[tilespmem:$0x18000] =	vst v63  }
0x138: {  	p3 =	seq.s32 s30, $0x0;
	_ =	swait.ge [sflag:s11], $0x8000  }
0x139: {  	s5 =	simm.s32 @!p3 $0x2;
	[sflag:s11] =	ssyncset.done $0x0;
	v8 =	vadd.s32 @!p2 v7, v10  }
0x13a: {  	[sflag:s11] =	ssyncadd.s32 $0xFFFF8000  }
0x13b: {  	[hbm4b:s31+s3] =	stream.linear.scatter [tilespmem:s3], [sflag:$0x2], $0x8000, $0x38;
	[tilespmem:$0x18000] =	vst v63  }
0x13c: {  	vm1 =	vmmov @!p2 $0xffff;
	s2 =	simm.s32 @!p2 $0x0;
	s1 =	simm.s32 @!p2 $0x8000;
	_ =	swait.ge @!p3 [sflag:s5], $0x8000  }
0x13d: {  	[sflag:s5] =	ssyncset.done @!p3 $0x0  }
0x13e: {  	[sflag:s5] =	ssyncadd.s32 @!p3 $0xFFFF8000  }
0x13f: {  	[tilespmem:s1], [sflag:$0x1] =	stream.indirect_vreg.gather @!p2 [hbm4b:s4+s2], $0x80, v8, vm1, $0xb8;
	[tilespmem:$0x18000] =	vst v63  }
0x140: {  	s5 =	simm.s32 @!p2 $0x8800  }
0x141: {  	[tilespmem:s5], [sflag:$0x1] =	stream.indirect_vreg.gather @!p2 [hbm4b:s14+s2], $0x80, v8, vm1, $0xb8;
	[tilespmem:$0x18000] =	vst v63  }
0x142: {  	s5 =	simm.s32 @!p2 $0x9000  }
0x143: {  	[tilespmem:s5], [sflag:$0x1] =	stream.indirect_vreg.gather @!p2 [hbm4b:s15+s2], $0x80, v8, vm1, $0xb8;
	[tilespmem:$0x18000] =	vst v63  }
0x144: {  	s5 =	simm.s32 @!p2 $0x9800  }
0x145: {  	[tilespmem:s5], [sflag:$0x1] =	stream.indirect_vreg.gather @!p2 [hbm4b:s16+s2], $0x80, v8, vm1, $0xb8;
	[tilespmem:$0x18000] =	vst v63  }
0x146: {  	s5 =	simm.s32 @!p2 $0xA000  }
0x147: {  	[tilespmem:s5], [sflag:$0x1] =	stream.indirect_vreg.gather @!p2 [hbm4b:s17+s2], $0x80, v8, vm1, $0xb8;
	[tilespmem:$0x18000] =	vst v63  }
0x148: {  	s5 =	simm.s32 @!p2 $0xA800  }
0x149: {  	v7 =	vadd.s32 @!p2 v7, v9;
	[tilespmem:s5], [sflag:$0x1] =	stream.indirect_vreg.gather @!p2 [hbm4b:s18+s2], $0x80, v8, vm1, $0xb8;
	[tilespmem:$0x18000] =	vst v63  }
0x14a: {  	s5 =	simm.s32 @!p2 $0xB000  }
0x14b: {  	[tilespmem:s5], [sflag:$0x1] =	stream.indirect_vreg.gather @!p2 [hbm4b:s19+s2], $0x80, v8, vm1, $0xb8;
	[tilespmem:$0x18000] =	vst v63  }
0x14c: {  	s5 =	simm.s32 @!p2 $0xB800  }
0x14d: {  	[tilespmem:s5], [sflag:$0x1] =	stream.indirect_vreg.gather @!p2 [hbm4b:s21+s2], $0x80, v8, vm1, $0xb8;
	[tilespmem:$0x18000] =	vst v63  }
0x14e: {  	s5 =	simm.s32 @!p2 $0xC000  }
0x14f: {  	[tilespmem:s5], [sflag:$0x1] =	stream.indirect_vreg.gather @!p2 [hbm4b:s4+s2], $0x80, v7, vm1, $0xb8;
	[tilespmem:$0x18000] =	vst v63  }
0x150: {  	s5 =	simm.s32 @!p2 $0xC800  }
0x151: {  	[tilespmem:s5], [sflag:$0x1] =	stream.indirect_vreg.gather @!p2 [hbm4b:s14+s2], $0x80, v7, vm1, $0xb8;
	[tilespmem:$0x18000] =	vst v63  }
0x152: {  	s5 =	simm.s32 @!p2 $0xD000  }
0x153: {  	[tilespmem:s5], [sflag:$0x1] =	stream.indirect_vreg.gather @!p2 [hbm4b:s15+s2], $0x80, v7, vm1, $0xb8;
	[tilespmem:$0x18000] =	vst v63  }
0x154: {  	s5 =	simm.s32 @!p2 $0xD800  }
0x155: {  	[tilespmem:s5], [sflag:$0x1] =	stream.indirect_vreg.gather @!p2 [hbm4b:s16+s2], $0x80, v7, vm1, $0xb8;
	[tilespmem:$0x18000] =	vst v63  }
0x156: {  	s7 =	simm.s32 @!p2 $0xE000;
	p3 =	sgt.u32 s26, $0xFE  }
0x157: {  	s28 =	sadd.s32 @!p3 s30, s20;
	s30 =	smov.u32 s8;
	s5 =	simm.s32 @!p3 $0x6800  }
0x158: {  	v8 =	vlaneseq.u32 @!p3;
	[tilespmem:s7], [sflag:$0x1] =	stream.indirect_vreg.gather @!p2 [hbm4b:s17+s2], $0x80, v7, vm1, $0xb8;
	[tilespmem:$0x18000] =	vst v63  }
0x159: {  	s8 =	sadd.s32 @!p3 $0x105, s28;
	v9 =	vand.u32 @!p3 $0x7, v8;
	v10 =	vshrl.u32 @!p3 v8, $0x3;
	s7 =	simm.s32 @!p2 $0xE800  }
0x15a: {  	v11 =	vadd.s32 @!p3 s8, v8;
	v10 =	vmul.u32 @!p3 $0x8, v10;
	[tilespmem:s7], [sflag:$0x1] =	stream.indirect_vreg.gather @!p2 [hbm4b:s18+s2], $0x80, v7, vm1, $0xb8;
	[tilespmem:$0x18000] =	vst v63  }
0x15b: {  	v8 =	vor.u32 @!p3 $0x8, v8;
	v12 =	vand.u32 @!p3 $0x7, v11;
	v11 =	vshll.u32 @!p3 v11, $0x4;
	s7 =	simm.s32 @!p2 $0xF000  }
0x15c: {  	v11 =	vand.u32 @!p3 $0x7FFFFF80, v11;
	[tilespmem:s7], [sflag:$0x1] =	stream.indirect_vreg.gather @!p2 [hbm4b:s19+s2], $0x80, v7, vm1, $0xb8;
	[tilespmem:$0x18000] =	vst v63  }
0x15d: {  	s8 =	simm.s32 @!p2 $0x1;
	v11 =	vor.u32 @!p3 v12, v11;
	s7 =	simm.s32 @!p2 $0xF800  }
0x15e: {  	v8 =	vperm.xlane @!p3 v11, v8;
	[tilespmem:s7], [sflag:$0x1] =	stream.indirect_vreg.gather @!p2 [hbm4b:s21+s2], $0x80, v7, vm1, $0xb8;
	v7 =	vperm.xlane @!p3 v11, v9;
	[tilespmem:$0x18000] =	vst v63  }
0x15f: {  	_ =	swait.ge @!p2 [sflag:s8], $0x8000  }
0x160: {  	[sflag:s8] =	ssyncset.done @!p2 $0x0  }
0x161: {  	s7 =	simm.s32 @!p2 $0x2;
	v7 =	vadd.s32 @!p3 v10, v7;
	[sflag:s8] =	ssyncadd.s32 @!p2 $0xFFFF8000  }
0x162: {  	[hbm4b:s22+s2] =	stream.linear.scatter @!p2 [tilespmem:s1], [sflag:$0x2], $0x8000, $0x38;
	[tilespmem:$0x18000] =	vst v63  }
0x163: {  	vm1 =	vmmov @!p3 $0xffff;
	s2 =	simm.s32 @!p3 $0x0;
	_ =	swait.ge @!p2 [sflag:s7], $0x8000  }
0x164: {  	s1 =	simm.s32 @!p3 $0x800;
	[sflag:s7] =	ssyncset.done @!p2 $0x0  }
0x165: {  	[sflag:s7] =	ssyncadd.s32 @!p2 $0xFFFF8000  }
0x166: {  	[tilespmem:s2], [sflag:$0x1] =	stream.indirect_vreg.gather @!p3 [hbm4b:s4+s2], $0x80, v7, vm1, $0xb8;
	[tilespmem:$0x18000] =	vst v63  }
0x167: {  	_ = 	snop  }
0x168: {  	[tilespmem:s1], [sflag:$0x1] =	stream.indirect_vreg.gather @!p3 [hbm4b:s14+s2], $0x80, v7, vm1, $0xb8;
	[tilespmem:$0x18000] =	vst v63  }
0x169: {  	s1 =	simm.s32 @!p3 $0x1000  }
0x16a: {  	[tilespmem:s1], [sflag:$0x1] =	stream.indirect_vreg.gather @!p3 [hbm4b:s15+s2], $0x80, v7, vm1, $0xb8;
	[tilespmem:$0x18000] =	vst v63  }
0x16b: {  	s1 =	simm.s32 @!p3 $0x1800  }
0x16c: {  	[tilespmem:s1], [sflag:$0x1] =	stream.indirect_vreg.gather @!p3 [hbm4b:s16+s2], $0x80, v7, vm1, $0xb8;
	[tilespmem:$0x18000] =	vst v63  }
0x16d: {  	s1 =	simm.s32 @!p3 $0x2000  }
0x16e: {  	[tilespmem:s1], [sflag:$0x1] =	stream.indirect_vreg.gather @!p3 [hbm4b:s17+s2], $0x80, v7, vm1, $0xb8;
	[tilespmem:$0x18000] =	vst v63  }
0x16f: {  	s1 =	simm.s32 @!p3 $0x2800  }
0x170: {  	[tilespmem:s1], [sflag:$0x1] =	stream.indirect_vreg.gather @!p3 [hbm4b:s18+s2], $0x80, v7, vm1, $0xb8;
	[tilespmem:$0x18000] =	vst v63  }
0x171: {  	v8 =	vadd.s32 @!p3 v10, v8;
	s1 =	simm.s32 @!p3 $0x3000  }
0x172: {  	[tilespmem:s1], [sflag:$0x1] =	stream.indirect_vreg.gather @!p3 [hbm4b:s19+s2], $0x80, v7, vm1, $0xb8;
	[tilespmem:$0x18000] =	vst v63  }
0x173: {  	s1 =	simm.s32 @!p3 $0x3800  }
0x174: {  	[tilespmem:s1], [sflag:$0x1] =	stream.indirect_vreg.gather @!p3 [hbm4b:s21+s2], $0x80, v7, vm1, $0xb8;
	[tilespmem:$0x18000] =	vst v63  }
0x175: {  	s1 =	simm.s32 @!p3 $0x4000  }
0x176: {  	[tilespmem:s1], [sflag:$0x1] =	stream.indirect_vreg.gather @!p3 [hbm4b:s4+s2], $0x80, v8, vm1, $0xb8;
	[tilespmem:$0x18000] =	vst v63  }
0x177: {  	s26 =	sadd.s32 $0x10, s26;
	s1 =	simm.s32 @!p3 $0x4800  }
0x178: {  	[tilespmem:s1], [sflag:$0x1] =	stream.indirect_vreg.gather @!p3 [hbm4b:s14+s2], $0x80, v8, vm1, $0xb8;
	[tilespmem:$0x18000] =	vst v63  }
0x179: {  	s7 =	simm.s32 @!p3 $0x5000;
	s1 =	sadd.s32 $0xFFFFFFF8, s26  }
0x17a: {  	[tilespmem:s7], [sflag:$0x1] =	stream.indirect_vreg.gather @!p3 [hbm4b:s15+s2], $0x80, v8, vm1, $0xb8;
	[tilespmem:$0x18000] =	vst v63  }
.Ltmp3:
0x17b: {  	_ = 	snop;
	(pc) =	sbr.rel @p4 .LBB2_7-.Ltmp3, $4  }
0x17c: {  	p2 =	sgt.u32 s1, $0xFE;
	s1 =	simm.s32 @!p3 $0x5800  }
0x17d: {  	v11 =	vlaneseq.u32 @!p2;
	[tilespmem:s1], [sflag:$0x1] =	stream.indirect_vreg.gather @!p3 [hbm4b:s16+s2], $0x80, v8, vm1, $0xb8;
	[tilespmem:$0x18000] =	vst v63  }
0x17e: {  	s31 =	sadd.s32 $0x10000, s31;
	s7 =	simm.s32 @!p3 $0x6000;
	v10 =	vand.u32 @!p2 $0x7, v11;
	v7 =	vshrl.u32 @!p2 v11, $0x3;
	v9 =	vor.u32 @!p2 $0x8, v11;
	s1 =	sadd.s32 @!p2 s30, s20  }
0x17f: {  	v7 =	vmul.u32 @!p2 $0x8, v7;
	[tilespmem:s7], [sflag:$0x1] =	stream.indirect_vreg.gather @!p3 [hbm4b:s17+s2], $0x80, v8, vm1, $0xb8;
	[tilespmem:$0x18000] =	vst v63  }
0x180: {  	_ =	sdelay $0x2  }
0x181: {  	s0 =	sadd.s32 @!p2 $0x85, s1  }
0x182: {  	[tilespmem:s5], [sflag:$0x1] =	stream.indirect_vreg.gather @!p3 [hbm4b:s18+s2], $0x80, v8, vm1, $0xb8;
	[tilespmem:$0x18000] =	vst v63  }
0x183: {  	v11 =	vadd.s32 @!p2 s0, v11;
	s0 =	simm.s32 @!p3 $0x7000  }
0x184: {  	v12 =	vshll.u32 @!p2 v11, $0x4;
	[tilespmem:s0], [sflag:$0x1] =	stream.indirect_vreg.gather @!p3 [hbm4b:s19+s2], $0x80, v8, vm1, $0xb8;
	[tilespmem:$0x18000] =	vst v63  }
0x185: {  	v11 =	vand.u32 @!p2 $0x7, v11;
	s0 =	simm.s32 @!p3 $0x7800;
	v12 =	vand.u32 @!p2 $0x7FFFFF80, v12  }
0x186: {  	v11 =	vor.u32 @!p2 v11, v12;
	[tilespmem:s0], [sflag:$0x1] =	stream.indirect_vreg.gather @!p3 [hbm4b:s21+s2], $0x80, v8, vm1, $0xb8;
	[tilespmem:$0x18000] =	vst v63  }
0x187: {  	v8 =	vperm.xlane @!p2 v11, v10;
	_ =	swait.ge [sflag:s11], $0x8000  }
0x188: {  	p3 =	seq.s32 s30, $0x0;
	[sflag:s11] =	ssyncset.done $0x0  }
0x189: {  	s0 =	simm.s32 @!p3 $0x2;
	v8 =	vadd.s32 @!p2 v7, v8;
	[sflag:s11] =	ssyncadd.s32 $0xFFFF8000  }
0x18a: {  	[hbm4b:s31+s3] =	stream.linear.scatter [tilespmem:s3], [sflag:$0x2], $0x8000, $0x38;
	[tilespmem:$0x18000] =	vst v63  }
0x18b: {  	_ =	swait.ge @!p3 [sflag:s0], $0x8000  }
0x18c: {  	[sflag:s0] =	ssyncset.done @!p3 $0x0  }
0x18d: {  	s1 =	simm.s32 @!p2 $0x0;
	vm1 =	vmmov @!p2 $0xffff;
	s2 =	simm.s32 @!p2 $0x8000;
	[sflag:s0] =	ssyncadd.s32 @!p3 $0xFFFF8000  }
0x18e: {  	[tilespmem:s2], [sflag:$0x1] =	stream.indirect_vreg.gather @!p2 [hbm4b:s4+s1], $0x80, v8, vm1, $0xb8;
	[tilespmem:$0x18000] =	vst v63  }
0x18f: {  	s0 =	simm.s32 @!p2 $0x8800  }
0x190: {  	[tilespmem:s0], [sflag:$0x1] =	stream.indirect_vreg.gather @!p2 [hbm4b:s14+s1], $0x80, v8, vm1, $0xb8;
	[tilespmem:$0x18000] =	vst v63  }
0x191: {  	s0 =	simm.s32 @!p2 $0x9000  }
0x192: {  	[tilespmem:s0], [sflag:$0x1] =	stream.indirect_vreg.gather @!p2 [hbm4b:s15+s1], $0x80, v8, vm1, $0xb8;
	[tilespmem:$0x18000] =	vst v63  }
0x193: {  	s0 =	simm.s32 @!p2 $0x9800  }
0x194: {  	[tilespmem:s0], [sflag:$0x1] =	stream.indirect_vreg.gather @!p2 [hbm4b:s16+s1], $0x80, v8, vm1, $0xb8;
	[tilespmem:$0x18000] =	vst v63  }
0x195: {  	s0 =	simm.s32 @!p2 $0xA000  }
0x196: {  	[tilespmem:s0], [sflag:$0x1] =	stream.indirect_vreg.gather @!p2 [hbm4b:s17+s1], $0x80, v8, vm1, $0xb8;
	[tilespmem:$0x18000] =	vst v63  }
0x197: {  	v9 =	vperm.xlane @!p2 v11, v9;
	s0 =	simm.s32 @!p2 $0xA800  }
0x198: {  	[tilespmem:s0], [sflag:$0x1] =	stream.indirect_vreg.gather @!p2 [hbm4b:s18+s1], $0x80, v8, vm1, $0xb8;
	[tilespmem:$0x18000] =	vst v63  }
0x199: {  	v7 =	vadd.s32 @!p2 v7, v9;
	s0 =	simm.s32 @!p2 $0xB000  }
0x19a: {  	[tilespmem:s0], [sflag:$0x1] =	stream.indirect_vreg.gather @!p2 [hbm4b:s19+s1], $0x80, v8, vm1, $0xb8;
	[tilespmem:$0x18000] =	vst v63  }
0x19b: {  	s0 =	simm.s32 @!p2 $0xB800  }
0x19c: {  	[tilespmem:s0], [sflag:$0x1] =	stream.indirect_vreg.gather @!p2 [hbm4b:s21+s1], $0x80, v8, vm1, $0xb8;
	[tilespmem:$0x18000] =	vst v63  }
0x19d: {  	s0 =	simm.s32 @!p2 $0xC000  }
0x19e: {  	[tilespmem:s0], [sflag:$0x1] =	stream.indirect_vreg.gather @!p2 [hbm4b:s4+s1], $0x80, v7, vm1, $0xb8;
	[tilespmem:$0x18000] =	vst v63  }
0x19f: {  	s0 =	simm.s32 @!p2 $0xC800  }
0x1a0: {  	[tilespmem:s0], [sflag:$0x1] =	stream.indirect_vreg.gather @!p2 [hbm4b:s14+s1], $0x80, v7, vm1, $0xb8;
	[tilespmem:$0x18000] =	vst v63  }
0x1a1: {  	s0 =	simm.s32 @!p2 $0xD000  }
0x1a2: {  	[tilespmem:s0], [sflag:$0x1] =	stream.indirect_vreg.gather @!p2 [hbm4b:s15+s1], $0x80, v7, vm1, $0xb8;
	[tilespmem:$0x18000] =	vst v63  }
0x1a3: {  	p3 =	sgt.u32 s26, $0xFE;
	s0 =	simm.s32 @!p2 $0xD800  }
0x1a4: {  	[tilespmem:s0], [sflag:$0x1] =	stream.indirect_vreg.gather @!p2 [hbm4b:s16+s1], $0x80, v7, vm1, $0xb8;
	[tilespmem:$0x18000] =	vst v63  }
0x1a5: {  	s5 =	sadd.s32 @!p3 s30, s20;
	s0 =	simm.s32 @!p2 $0xE000  }
0x1a6: {  	[tilespmem:s0], [sflag:$0x1] =	stream.indirect_vreg.gather @!p2 [hbm4b:s17+s1], $0x80, v7, vm1, $0xb8;
	[tilespmem:$0x18000] =	vst v63  }
0x1a7: {  	s5 =	sadd.s32 @!p3 $0x105, s5;
	s0 =	simm.s32 @!p2 $0xE800  }
0x1a8: {  	v8 =	vlaneseq.u32 @!p3;
	[tilespmem:s0], [sflag:$0x1] =	stream.indirect_vreg.gather @!p2 [hbm4b:s18+s1], $0x80, v7, vm1, $0xb8;
	[tilespmem:$0x18000] =	vst v63  }
0x1a9: {  	v9 =	vadd.s32 @!p3 s5, v8;
	s0 =	simm.s32 @!p2 $0xF000  }
0x1aa: {  	v10 =	vshll.u32 @!p3 v9, $0x4;
	[tilespmem:s0], [sflag:$0x1] =	stream.indirect_vreg.gather @!p2 [hbm4b:s19+s1], $0x80, v7, vm1, $0xb8;
	[tilespmem:$0x18000] =	vst v63  }
0x1ab: {  	s5 =	simm.s32 @!p2 $0x1;
	v9 =	vand.u32 @!p3 $0x7, v9;
	v10 =	vand.u32 @!p3 $0x7FFFFF80, v10;
	s0 =	simm.s32 @!p2 $0xF800  }
0x1ac: {  	v11 =	vand.u32 @!p3 $0x7, v8;
	v12 =	vshrl.u32 @!p3 v8, $0x3;
	v9 =	vor.u32 @!p3 v9, v10;
	[tilespmem:s0], [sflag:$0x1] =	stream.indirect_vreg.gather @!p2 [hbm4b:s21+s1], $0x80, v7, vm1, $0xb8;
	[tilespmem:$0x18000] =	vst v63  }
0x1ad: {  	v10 =	vperm.xlane @!p3 v9, v11;
	v7 =	vmul.u32 @!p3 $0x8, v12;
	_ =	swait.ge @!p2 [sflag:s5], $0x8000  }
0x1ae: {  	[sflag:s5] =	ssyncset.done @!p2 $0x0  }
0x1af: {  	s0 =	sadd.s32 $0x10000, s22;
	v10 =	vadd.s32 @!p3 v7, v10;
	[sflag:s5] =	ssyncadd.s32 @!p2 $0xFFFF8000;
	s5 =	simm.s32 @!p2 $0x2  }
0x1b0: {  	[hbm4b:s0+s1] =	stream.linear.scatter @!p2 [tilespmem:s2], [sflag:$0x2], $0x8000, $0x38;
	[tilespmem:$0x18000] =	vst v63  }
0x1b1: {  	_ =	swait.ge @!p2 [sflag:s5], $0x8000  }
0x1b2: {  	[sflag:s5] =	ssyncset.done @!p2 $0x0  }
0x1b3: {  	vm1 =	vmmov @!p3 $0xffff;
	s0 =	simm.s32 @!p3 $0x0;
	[sflag:s5] =	ssyncadd.s32 @!p2 $0xFFFF8000  }
0x1b4: {  	[tilespmem:s0], [sflag:$0x1] =	stream.indirect_vreg.gather @!p3 [hbm4b:s4+s0], $0x80, v10, vm1, $0xb8;
	[tilespmem:$0x18000] =	vst v63  }
0x1b5: {  	s1 =	simm.s32 @!p3 $0x800  }
0x1b6: {  	[tilespmem:s1], [sflag:$0x1] =	stream.indirect_vreg.gather @!p3 [hbm4b:s14+s0], $0x80, v10, vm1, $0xb8;
	[tilespmem:$0x18000] =	vst v63  }
0x1b7: {  	s1 =	simm.s32 @!p3 $0x1000  }
0x1b8: {  	[tilespmem:s1], [sflag:$0x1] =	stream.indirect_vreg.gather @!p3 [hbm4b:s15+s0], $0x80, v10, vm1, $0xb8;
	[tilespmem:$0x18000] =	vst v63  }
0x1b9: {  	s1 =	simm.s32 @!p3 $0x1800  }
0x1ba: {  	[tilespmem:s1], [sflag:$0x1] =	stream.indirect_vreg.gather @!p3 [hbm4b:s16+s0], $0x80, v10, vm1, $0xb8;
	[tilespmem:$0x18000] =	vst v63  }
0x1bb: {  	s1 =	simm.s32 @!p3 $0x2000  }
0x1bc: {  	v8 =	vor.u32 @!p3 $0x8, v8;
	[tilespmem:s1], [sflag:$0x1] =	stream.indirect_vreg.gather @!p3 [hbm4b:s17+s0], $0x80, v10, vm1, $0xb8;
	[tilespmem:$0x18000] =	vst v63  }
0x1bd: {  	v8 =	vperm.xlane @!p3 v9, v8;
	s1 =	simm.s32 @!p3 $0x2800  }
0x1be: {  	[tilespmem:s1], [sflag:$0x1] =	stream.indirect_vreg.gather @!p3 [hbm4b:s18+s0], $0x80, v10, vm1, $0xb8;
	[tilespmem:$0x18000] =	vst v63  }
0x1bf: {  	v7 =	vadd.s32 @!p3 v7, v8;
	s1 =	simm.s32 @!p3 $0x3000  }
0x1c0: {  	[tilespmem:s1], [sflag:$0x1] =	stream.indirect_vreg.gather @!p3 [hbm4b:s19+s0], $0x80, v10, vm1, $0xb8;
	[tilespmem:$0x18000] =	vst v63  }
0x1c1: {  	s1 =	simm.s32 @!p3 $0x3800  }
0x1c2: {  	[tilespmem:s1], [sflag:$0x1] =	stream.indirect_vreg.gather @!p3 [hbm4b:s21+s0], $0x80, v10, vm1, $0xb8;
	[tilespmem:$0x18000] =	vst v63  }
0x1c3: {  	s1 =	simm.s32 @!p3 $0x4000  }
0x1c4: {  	[tilespmem:s1], [sflag:$0x1] =	stream.indirect_vreg.gather @!p3 [hbm4b:s4+s0], $0x80, v7, vm1, $0xb8;
	[tilespmem:$0x18000] =	vst v63  }
0x1c5: {  	s1 =	simm.s32 @!p3 $0x4800  }
0x1c6: {  	[tilespmem:s1], [sflag:$0x1] =	stream.indirect_vreg.gather @!p3 [hbm4b:s14+s0], $0x80, v7, vm1, $0xb8;
	[tilespmem:$0x18000] =	vst v63  }
0x1c7: {  	s1 =	simm.s32 @!p3 $0x5000  }
0x1c8: {  	[tilespmem:s1], [sflag:$0x1] =	stream.indirect_vreg.gather @!p3 [hbm4b:s15+s0], $0x80, v7, vm1, $0xb8;
	[tilespmem:$0x18000] =	vst v63  }
0x1c9: {  	s1 =	simm.s32 @!p3 $0x5800  }
0x1ca: {  	[tilespmem:s1], [sflag:$0x1] =	stream.indirect_vreg.gather @!p3 [hbm4b:s16+s0], $0x80, v7, vm1, $0xb8;
	[tilespmem:$0x18000] =	vst v63  }
0x1cb: {  	s1 =	simm.s32 @!p3 $0x6000  }
0x1cc: {  	[tilespmem:s1], [sflag:$0x1] =	stream.indirect_vreg.gather @!p3 [hbm4b:s17+s0], $0x80, v7, vm1, $0xb8;
	[tilespmem:$0x18000] =	vst v63  }
0x1cd: {  	s1 =	simm.s32 @!p3 $0x6800  }
0x1ce: {  	[tilespmem:s1], [sflag:$0x1] =	stream.indirect_vreg.gather @!p3 [hbm4b:s18+s0], $0x80, v7, vm1, $0xb8;
	[tilespmem:$0x18000] =	vst v63  }
0x1cf: {  	s1 =	simm.s32 @!p3 $0x7000  }
0x1d0: {  	[tilespmem:s1], [sflag:$0x1] =	stream.indirect_vreg.gather @!p3 [hbm4b:s19+s0], $0x80, v7, vm1, $0xb8;
	[tilespmem:$0x18000] =	vst v63  }
0x1d1: {  	s30 =	simm.s32 $0x2;
	s1 =	simm.s32 @!p3 $0x7800  }
0x1d2: {  	[tilespmem:s1], [sflag:$0x1] =	stream.indirect_vreg.gather @!p3 [hbm4b:s21+s0], $0x80, v7, vm1, $0xb8;
	[tilespmem:$0x18000] =	vst v63  }
0x1d3: {  	_ =	swait.ge [sflag:s30], $0x8000  }
0x1d4: {  	s29 =	sadd.s32 $0x1, s29;
	s31 =	rddreg [dreg:$0x5]  }
0x1d5: {  	p2 =	sne.s32 s29, s31  }
.Ltmp4:
0x1d6: {  	_ = 	snop;
	(pc) =	sbr.rel @p2 .LBB2_1-.Ltmp4, $3  }
0x1d7: {  	_ =	sdelay $0x1  }
0x1d8: {  	[sflag:s30] =	ssyncset.done $0x0  }
0x1d9: {  	[sflag:s30] =	ssyncadd.s32 $0xFFFF8000  }
0x1da: {  	_ =	sfence.sel $0x180000  }
0x1db: {  	[bflag:$0x0] =	sbarrier.arrive $0xFFFF  }
0x1dc: {  	_ =	strace $0x90000047  }
0x1dd: {  	s0 =	stileid.u32;
	[bflag:$0x2] =	sbarrier.arrive $0xFFFF  }
0x1de: {  	p0 =	sne.s32 s0, $0x0;
	s0 =	rddreg [dreg:$0x3]  }
0x1df: {  	s0 =	sadd.s32 @!p0 $0x100000, s0  }
0x1e0: {  	[sflag:s0] =	ssyncadd.tile.s32 @!p0 $0x1;
	_ =	shalt  }
.Lfunc_end2:
_tile_overlayer_lowered:
.L_overlay_start_2:
0x1e1: {  	(tag) =	ssettag $0x2  }
0x1e2: {  	s0 =	rddreg [dreg:$0x0];
	s2 =	stileid.u32  }
0x1e3: {  	s1 =	rddreg [dreg:$0x1];
	p0 =	sne.s32 s2, $0x0  }
0x1e4: {  	s3 =	rddreg [dreg:$0x2];
	[bflag:$0x3] =	sbarrier.arrive $0xFFFF;
	s2 =	simm.s32 @!p0 $0x1C03  }
0x1e5: {  	[timem:s3], [sflag:s2] =	dma.local @!p0 [hbm:s0], s1  }
0x1e6: {  	s0 =	simm.s32 @!p0 $0x3  }
0x1e7: {  	_ =	swait.ge @!p0 [sflag:s0], s1  }
0x1e8: {  	s1 =	ssub.s32 @!p0 $0x0, s1;
	[sflag:s0] =	ssyncset.done @!p0 $0x0  }
0x1e9: {  	[sflag:s0] =	ssyncadd.s32 @!p0 s1  }
0x1ea: {  	[bflag:$0x3] =	sbarrier.arrive $0xFFFF  }
0x1eb: {  	_ =	shalt  }

</sc_bundles>
